<compile_context>
chip_gen: v7x
topology: tpu7x:2x2x1
jax: 0.10.2.dev20260603
libtpu: 0.0.44.dev20260713+nightly
codegen_flags: <defaults>
</compile_context>

<pallas_src>
import jax
import jax.numpy as jnp
from jax import lax
from jax.experimental import pallas as pl
from jax.experimental.pallas import tpu as pltpu
from jax.experimental.pallas import tpu_sc as plsc

VOCAB = 1000000
D = 64
SEQ = 200
B = 4096
DP = 128

NC, NS, L = 2, 16, 16
NW = NC * NS
N = B * SEQ
ROWS_PER_W = N // NW
G = 128
CR = 256
NSTREAM = CR // G
CHUNKS = ROWS_PER_W // CR
NBUF = 2
IBLKS = ROWS_PER_W // G


def _body(idx_hbm, table_hbm, pos_hbm, out_hbm,
          idx_v, rows, pos_v, gsem0, gsem1, osem0, osem1):
    c = lax.axis_index("c")
    s = lax.axis_index("s")
    wid = s * NC + c
    base = wid * ROWS_PER_W
    iblk = pl.multiple_of(wid * IBLKS, 8)

    pltpu.sync_copy(pos_hbm, pos_v)
    pltpu.sync_copy(idx_hbm.at[pl.ds(iblk, IBLKS)], idx_v)

    gsems = (gsem0, gsem1)
    osems = (osem0, osem1)

    def gather_descs(gg, b, sem):
        return [pltpu.make_async_copy(
                    table_hbm.at[idx_v.at[gg * NSTREAM + j]],
                    rows.at[b, pl.ds(j * G, G)], sem)
                for j in range(NSTREAM)]

    def out_desc(gg, b, sem):
        r0 = pl.multiple_of(base + gg * CR, 8)
        return pltpu.make_async_copy(rows.at[b], out_hbm.at[pl.ds(r0, CR)], sem)

    for b in range(NBUF):
        for d_ in gather_descs(b, b, gsems[b]):
            d_.start()

    @pl.loop(0, CHUNKS, step=NBUF)
    def chunk(g):
        for b in range(NBUF):
            gg = g + b
            for d_ in gather_descs(gg, b, gsems[b]):
                d_.wait()

            @pl.when(gg >= NBUF)
            def _():
                out_desc(gg - NBUF, b, osems[b]).wait()

            p0 = lax.rem(gg * CR, SEQ)

            @pl.loop(0, CR)
            def posrow(k):
                p = p0 + k
                p = lax.select(p >= 2 * SEQ, p - 2 * SEQ,
                               lax.select(p >= SEQ, p - SEQ, p))
                for d2 in range(D // L):
                    v = pos_v[pl.ds(p * D + d2 * L, L)]
                    plsc.addupdate(rows.at[b, k, pl.ds(d2 * L, L)], v)

            @pl.when(gg + NBUF < CHUNKS)
            def _():
                for d_ in gather_descs(gg + NBUF, b, gsems[b]):
                    d_.start()

            out_desc(gg, b, osems[b]).start()

    for b in range(NBUF):
        out_desc(CHUNKS - NBUF + b, b, osems[b]).wait()


@jax.jit
def kernel(input_idx, word_table, pos_table):
    idx2 = input_idx.reshape(N // G, G).astype(jnp.int32)
    tablep = jnp.pad(word_table, ((0, 0), (0, DP - D)))
    pos_flat = pos_table.reshape(-1)
    mesh = plsc.VectorSubcoreMesh(core_axis_name="c", subcore_axis_name="s")
    out = pl.kernel(
        _body,
        out_type=jax.ShapeDtypeStruct((N, DP), jnp.float32),
        mesh=mesh,
        compiler_params=pltpu.CompilerParams(use_tc_tiling_on_sc=False),
        scratch_types=[
            pltpu.VMEM((IBLKS, G), jnp.int32),
            pltpu.VMEM((NBUF, CR, DP), jnp.float32),
            pltpu.VMEM((SEQ * D,), jnp.float32),
            pltpu.SemaphoreType.DMA,
            pltpu.SemaphoreType.DMA,
            pltpu.SemaphoreType.DMA,
            pltpu.SemaphoreType.DMA,
        ],
    )(idx2, tablep, pos_flat)
    return out[:, :D].reshape(B, SEQ, D)

# --- scband reference (transcript-rebuilt; emitter-appended) ---
"""Pipeline reference for scband-embeddings-39874476376523 (READ-ONLY COPY).

The authoritative reference and input builder live on the scoring server;
editing this copy changes nothing except your own understanding.
"""

import jax, jax.numpy as jnp
import numpy as np

VOCAB_SIZE = 1000000
EMBED_DIM = 64
SEQ_LEN = 200
BATCH = 4096

def setup_inputs(seed: int = 0) -> dict:
    key = jax.random.key(seed)
    k1, k2, k3 = jax.random.split(key, 3)
    input_idx = jax.random.randint(k1, (BATCH, SEQ_LEN), 0, VOCAB_SIZE, dtype=jnp.int64 if jax.config.read('jax_enable_x64') else jnp.int32)
    word_table = jax.random.normal(k2, (VOCAB_SIZE, EMBED_DIM), dtype=jnp.float32) * 0.02
    pos_table = jax.random.normal(k3, (SEQ_LEN, EMBED_DIM), dtype=jnp.float32) * 0.02
    return {"input_idx": input_idx, "word_table": word_table, "pos_table": pos_table}

def reference(input_idx, word_table, pos_table):
    # word embedding lookup: gather rows from word_table
    word_embeds = jnp.take(word_table, input_idx, axis=0)  # [B, S, D]
    seq_len = input_idx.shape[1]
    # positional embedding lookup over arange(seq_len)
    pos_embeds = jnp.take(pos_table, jnp.arange(seq_len), axis=0)  # [S, D]
    return word_embeds + pos_embeds[None, :, :]

if __name__ == "__main__":
    import jax
    _d = setup_inputs()
    print(jax.jit(kernel)(*tuple(_d.values())))

</pallas_src>

<mosaic_0001>
#map = affine_map<(d0, d1) -> (0, 0)>
#map1 = affine_map<(d0, d1) -> (0)>
module attributes {stable_mosaic.version = 14 : i64} {
  func.func @_body(%arg0: i32, %arg1: i32, %arg2: memref<6400x128xi32, #tpu.memory_space<hbm>>, %arg3: memref<1000000x128xf32, #tpu.memory_space<hbm>>, %arg4: memref<12800xf32, #tpu.memory_space<hbm>>, %arg5: memref<819200x128xf32, #tpu.memory_space<hbm>>, %arg6: memref<200x128xi32, #tpu.memory_space<vmem>>, %arg7: memref<2x256x128xf32, #tpu.memory_space<vmem>>, %arg8: memref<12800xf32, #tpu.memory_space<vmem>>, %arg9: memref<!tpu.dma_semaphore, #tpu.memory_space<semaphore_mem>>, %arg10: memref<!tpu.dma_semaphore, #tpu.memory_space<semaphore_mem>>, %arg11: memref<!tpu.dma_semaphore, #tpu.memory_space<semaphore_mem>>, %arg12: memref<!tpu.dma_semaphore, #tpu.memory_space<semaphore_mem>>) attributes {dimension_semantics = [#tpu.dimension_semantics<core_parallel>, #tpu.dimension_semantics<subcore_parallel>], iteration_bounds = array<i64: 2, 16>, scalar_prefetch = 0 : i64, scratch_operands = 7 : i64, tpu.core_type = #tpu.core_type<sc_vector_subcore>, window_params = [{transform_indices = #map}, {transform_indices = #map}, {transform_indices = #map1}, {transform_indices = #map}]} {
    %mul3A = arith.constant 2 : i32
    %mul3A_0 = arith.muli %arg1, %mul3A : i32
    %add3A = arith.addi %mul3A_0, %arg0 : i32
    %mul3A_1 = arith.constant 25600 : i32
    %mul3A_2 = arith.muli %add3A, %mul3A_1 : i32
    %mul3A_3 = arith.constant 200 : i32
    %mul3A_4 = arith.muli %add3A, %mul3A_3 : i32
    %multiple_of3A = tpu.assume_multiple %mul3A_4, 8 : i32
    "tpu.region"() ({
      %run_scoped3A = tpu.sem_alloc : memref<!tpu.dma_semaphore, #tpu.memory_space<semaphore_mem>>
      tpu.enqueue_dma source(%arg4 : memref<12800xf32, #tpu.memory_space<hbm>>) target(%arg8 : memref<12800xf32, #tpu.memory_space<vmem>>) target_semaphore(%run_scoped3A : memref<!tpu.dma_semaphore, #tpu.memory_space<semaphore_mem>>)
      tpu.wait_dma2 semaphore(%run_scoped3A : memref<!tpu.dma_semaphore, #tpu.memory_space<semaphore_mem>>) src(%arg4 : memref<12800xf32, #tpu.memory_space<hbm>>) dst(%arg8 : memref<12800xf32, #tpu.memory_space<vmem>>)
      tpu.yield
    }) : () -> ()
    "tpu.region"() ({
      %run_scoped3A = tpu.sem_alloc : memref<!tpu.dma_semaphore, #tpu.memory_space<semaphore_mem>>
      %dma_start3A_87 = arith.constant 0 : i32
      %dma_start3A_88 = tpu.memref_slice %arg2[%multiple_of3A, %dma_start3A_87] : memref<6400x128xi32, #tpu.memory_space<hbm>> -> memref<200x128xi32, #tpu.memory_space<hbm>>
      %dma_start3A_89 = arith.constant 0 : i32
      %dma_start3A_90 = tpu.memref_slice %arg2[%multiple_of3A, %dma_start3A_89] : memref<6400x128xi32, #tpu.memory_space<hbm>> -> memref<200x128xi32, #tpu.memory_space<hbm>>
      tpu.enqueue_dma source(%dma_start3A_90 : memref<200x128xi32, #tpu.memory_space<hbm>>) target(%arg6 : memref<200x128xi32, #tpu.memory_space<vmem>>) target_semaphore(%run_scoped3A : memref<!tpu.dma_semaphore, #tpu.memory_space<semaphore_mem>>)
      %dma_wait3A_91 = arith.constant 0 : i32
      %dma_wait3A_92 = tpu.memref_slice %arg2[%multiple_of3A, %dma_wait3A_91] : memref<6400x128xi32, #tpu.memory_space<hbm>> -> memref<200x128xi32, #tpu.memory_space<hbm>>
      %dma_wait3A_93 = arith.constant 0 : i32
      %dma_wait3A_94 = tpu.memref_slice %arg2[%multiple_of3A, %dma_wait3A_93] : memref<6400x128xi32, #tpu.memory_space<hbm>> -> memref<200x128xi32, #tpu.memory_space<hbm>>
      tpu.wait_dma2 semaphore(%run_scoped3A : memref<!tpu.dma_semaphore, #tpu.memory_space<semaphore_mem>>) src(%dma_wait3A_94 : memref<200x128xi32, #tpu.memory_space<hbm>>) dst(%arg6 : memref<200x128xi32, #tpu.memory_space<vmem>>)
      tpu.yield
    }) : () -> ()
    %dma_start3A = arith.constant 0 : i32
    %dma_start3A_5 = arith.constant 0 : i32
    %dma_start3A_6 = arith.constant 0 : i32
    %dma_start3A_7 = arith.constant 0 : i32
    %dma_start3A_8 = tpu.memref_slice %arg7[%dma_start3A_5, %dma_start3A_6, %dma_start3A_7] : memref<2x256x128xf32, #tpu.memory_space<vmem>> -> memref<1x128x128xf32, #tpu.memory_space<vmem>>
    %dma_start3A_9 = tpu.memref_squeeze %dma_start3A_8 : memref<1x128x128xf32, #tpu.memory_space<vmem>> -> memref<128x128xf32, #tpu.memory_space<vmem>>
    %dma_start3A_10 = arith.constant 0 : i32
    %dma_start3A_11 = tpu.memref_slice %arg6[%dma_start3A, %dma_start3A_10] : memref<200x128xi32, #tpu.memory_space<vmem>> -> memref<1x128xi32, #tpu.memory_space<vmem>>
    %dma_start3A_12 = tpu.memref_squeeze %dma_start3A_11 : memref<1x128xi32, #tpu.memory_space<vmem>> -> memref<128xi32, #tpu.memory_space<vmem>>
    %dma_start3A_13 = arith.constant 0 : i32
    %dma_start3A_14 = arith.constant 0 : i32
    %dma_start3A_15 = tpu.memref_slice %arg3[%dma_start3A_13, %dma_start3A_14] : memref<1000000x128xf32, #tpu.memory_space<hbm>> -> memref<1000000x128xf32, #tpu.memory_space<hbm>>
    tpu.enqueue_indirect_dma source(%dma_start3A_15 : memref<1000000x128xf32, #tpu.memory_space<hbm>>) target(%dma_start3A_9 : memref<128x128xf32, #tpu.memory_space<vmem>>) offsets(%dma_start3A_12 : memref<128xi32, #tpu.memory_space<vmem>>) semaphore(%arg9 : memref<!tpu.dma_semaphore, #tpu.memory_space<semaphore_mem>>)
    %dma_start3A_16 = arith.constant 1 : i32
    %dma_start3A_17 = arith.constant 0 : i32
    %dma_start3A_18 = arith.constant 128 : i32
    %dma_start3A_19 = arith.constant 0 : i32
    %dma_start3A_20 = tpu.memref_slice %arg7[%dma_start3A_17, %dma_start3A_18, %dma_start3A_19] : memref<2x256x128xf32, #tpu.memory_space<vmem>> -> memref<1x128x128xf32, #tpu.memory_space<vmem>>
    %dma_start3A_21 = tpu.memref_squeeze %dma_start3A_20 : memref<1x128x128xf32, #tpu.memory_space<vmem>> -> memref<128x128xf32, #tpu.memory_space<vmem>>
    %dma_start3A_22 = arith.constant 0 : i32
    %dma_start3A_23 = tpu.memref_slice %arg6[%dma_start3A_16, %dma_start3A_22] : memref<200x128xi32, #tpu.memory_space<vmem>> -> memref<1x128xi32, #tpu.memory_space<vmem>>
    %dma_start3A_24 = tpu.memref_squeeze %dma_start3A_23 : memref<1x128xi32, #tpu.memory_space<vmem>> -> memref<128xi32, #tpu.memory_space<vmem>>
    %dma_start3A_25 = arith.constant 0 : i32
    %dma_start3A_26 = arith.constant 0 : i32
    %dma_start3A_27 = tpu.memref_slice %arg3[%dma_start3A_25, %dma_start3A_26] : memref<1000000x128xf32, #tpu.memory_space<hbm>> -> memref<1000000x128xf32, #tpu.memory_space<hbm>>
    tpu.enqueue_indirect_dma source(%dma_start3A_27 : memref<1000000x128xf32, #tpu.memory_space<hbm>>) target(%dma_start3A_21 : memref<128x128xf32, #tpu.memory_space<vmem>>) offsets(%dma_start3A_24 : memref<128xi32, #tpu.memory_space<vmem>>) semaphore(%arg9 : memref<!tpu.dma_semaphore, #tpu.memory_space<semaphore_mem>>)
    %dma_start3A_28 = arith.constant 2 : i32
    %dma_start3A_29 = arith.constant 1 : i32
    %dma_start3A_30 = arith.constant 0 : i32
    %dma_start3A_31 = arith.constant 0 : i32
    %dma_start3A_32 = tpu.memref_slice %arg7[%dma_start3A_29, %dma_start3A_30, %dma_start3A_31] : memref<2x256x128xf32, #tpu.memory_space<vmem>> -> memref<1x128x128xf32, #tpu.memory_space<vmem>>
    %dma_start3A_33 = tpu.memref_squeeze %dma_start3A_32 : memref<1x128x128xf32, #tpu.memory_space<vmem>> -> memref<128x128xf32, #tpu.memory_space<vmem>>
    %dma_start3A_34 = arith.constant 0 : i32
    %dma_start3A_35 = tpu.memref_slice %arg6[%dma_start3A_28, %dma_start3A_34] : memref<200x128xi32, #tpu.memory_space<vmem>> -> memref<1x128xi32, #tpu.memory_space<vmem>>
    %dma_start3A_36 = tpu.memref_squeeze %dma_start3A_35 : memref<1x128xi32, #tpu.memory_space<vmem>> -> memref<128xi32, #tpu.memory_space<vmem>>
    %dma_start3A_37 = arith.constant 0 : i32
    %dma_start3A_38 = arith.constant 0 : i32
    %dma_start3A_39 = tpu.memref_slice %arg3[%dma_start3A_37, %dma_start3A_38] : memref<1000000x128xf32, #tpu.memory_space<hbm>> -> memref<1000000x128xf32, #tpu.memory_space<hbm>>
    tpu.enqueue_indirect_dma source(%dma_start3A_39 : memref<1000000x128xf32, #tpu.memory_space<hbm>>) target(%dma_start3A_33 : memref<128x128xf32, #tpu.memory_space<vmem>>) offsets(%dma_start3A_36 : memref<128xi32, #tpu.memory_space<vmem>>) semaphore(%arg10 : memref<!tpu.dma_semaphore, #tpu.memory_space<semaphore_mem>>)
    %dma_start3A_40 = arith.constant 3 : i32
    %dma_start3A_41 = arith.constant 1 : i32
    %dma_start3A_42 = arith.constant 128 : i32
    %dma_start3A_43 = arith.constant 0 : i32
    %dma_start3A_44 = tpu.memref_slice %arg7[%dma_start3A_41, %dma_start3A_42, %dma_start3A_43] : memref<2x256x128xf32, #tpu.memory_space<vmem>> -> memref<1x128x128xf32, #tpu.memory_space<vmem>>
    %dma_start3A_45 = tpu.memref_squeeze %dma_start3A_44 : memref<1x128x128xf32, #tpu.memory_space<vmem>> -> memref<128x128xf32, #tpu.memory_space<vmem>>
    %dma_start3A_46 = arith.constant 0 : i32
    %dma_start3A_47 = tpu.memref_slice %arg6[%dma_start3A_40, %dma_start3A_46] : memref<200x128xi32, #tpu.memory_space<vmem>> -> memref<1x128xi32, #tpu.memory_space<vmem>>
    %dma_start3A_48 = tpu.memref_squeeze %dma_start3A_47 : memref<1x128xi32, #tpu.memory_space<vmem>> -> memref<128xi32, #tpu.memory_space<vmem>>
    %dma_start3A_49 = arith.constant 0 : i32
    %dma_start3A_50 = arith.constant 0 : i32
    %dma_start3A_51 = tpu.memref_slice %arg3[%dma_start3A_49, %dma_start3A_50] : memref<1000000x128xf32, #tpu.memory_space<hbm>> -> memref<1000000x128xf32, #tpu.memory_space<hbm>>
    tpu.enqueue_indirect_dma source(%dma_start3A_51 : memref<1000000x128xf32, #tpu.memory_space<hbm>>) target(%dma_start3A_45 : memref<128x128xf32, #tpu.memory_space<vmem>>) offsets(%dma_start3A_48 : memref<128xi32, #tpu.memory_space<vmem>>) semaphore(%arg10 : memref<!tpu.dma_semaphore, #tpu.memory_space<semaphore_mem>>)
    %scan3A = arith.constant 0 : i32
    %scan3A_52 = arith.constant 50 : i32
    %scan3A_53 = arith.addi %scan3A, %scan3A_52 : i32
    %scan3A_54 = arith.constant 1 : i32
    scf.for %scan3A_87 = %scan3A to %scan3A_53 step %scan3A_54  : i32 {
      %mul3A_88 = arith.constant 2 : i32
      %mul3A_89 = arith.muli %scan3A_87, %mul3A_88 : i32
      %add3A_90 = arith.constant 0 : i32
      %add3A_91 = arith.addi %add3A_90, %mul3A_89 : i32
      %add3A_92 = arith.constant 0 : i32
      %add3A_93 = arith.addi %add3A_91, %add3A_92 : i32
      %mul3A_94 = arith.constant 2 : i32
      %mul3A_95 = arith.muli %add3A_93, %mul3A_94 : i32
      %add3A_96 = arith.constant 0 : i32
      %add3A_97 = arith.addi %mul3A_95, %add3A_96 : i32
      %mul3A_98 = arith.constant 2 : i32
      %mul3A_99 = arith.muli %add3A_93, %mul3A_98 : i32
      %add3A_100 = arith.constant 1 : i32
      %add3A_101 = arith.addi %mul3A_99, %add3A_100 : i32
      %dma_wait3A_102 = arith.constant 0 : i32
      %dma_wait3A_103 = arith.constant 0 : i32
      %dma_wait3A_104 = arith.constant 0 : i32
      %dma_wait3A_105 = tpu.memref_slice %arg7[%dma_wait3A_102, %dma_wait3A_103, %dma_wait3A_104] : memref<2x256x128xf32, #tpu.memory_space<vmem>> -> memref<1x128x128xf32, #tpu.memory_space<vmem>>
      %dma_wait3A_106 = tpu.memref_squeeze %dma_wait3A_105 : memref<1x128x128xf32, #tpu.memory_space<vmem>> -> memref<128x128xf32, #tpu.memory_space<vmem>>
      %dma_wait3A_107 = arith.constant 0 : i32
      %dma_wait3A_108 = tpu.memref_slice %arg6[%add3A_97, %dma_wait3A_107] : memref<200x128xi32, #tpu.memory_space<vmem>> -> memref<1x128xi32, #tpu.memory_space<vmem>>
      %dma_wait3A_109 = tpu.memref_squeeze %dma_wait3A_108 : memref<1x128xi32, #tpu.memory_space<vmem>> -> memref<128xi32, #tpu.memory_space<vmem>>
      %dma_wait3A_110 = arith.constant 0 : i32
      %dma_wait3A_111 = arith.constant 0 : i32
      %dma_wait3A_112 = tpu.memref_slice %arg3[%dma_wait3A_110, %dma_wait3A_111] : memref<1000000x128xf32, #tpu.memory_space<hbm>> -> memref<1000000x128xf32, #tpu.memory_space<hbm>>
      tpu.wait_indirect_dma semaphore(%arg9 : memref<!tpu.dma_semaphore, #tpu.memory_space<semaphore_mem>>) src(%dma_wait3A_112 : memref<1000000x128xf32, #tpu.memory_space<hbm>>) dst(%dma_wait3A_106 : memref<128x128xf32, #tpu.memory_space<vmem>>)
      %dma_wait3A_113 = arith.constant 0 : i32
      %dma_wait3A_114 = arith.constant 128 : i32
      %dma_wait3A_115 = arith.constant 0 : i32
      %dma_wait3A_116 = tpu.memref_slice %arg7[%dma_wait3A_113, %dma_wait3A_114, %dma_wait3A_115] : memref<2x256x128xf32, #tpu.memory_space<vmem>> -> memref<1x128x128xf32, #tpu.memory_space<vmem>>
      %dma_wait3A_117 = tpu.memref_squeeze %dma_wait3A_116 : memref<1x128x128xf32, #tpu.memory_space<vmem>> -> memref<128x128xf32, #tpu.memory_space<vmem>>
      %dma_wait3A_118 = arith.constant 0 : i32
      %dma_wait3A_119 = tpu.memref_slice %arg6[%add3A_101, %dma_wait3A_118] : memref<200x128xi32, #tpu.memory_space<vmem>> -> memref<1x128xi32, #tpu.memory_space<vmem>>
      %dma_wait3A_120 = tpu.memref_squeeze %dma_wait3A_119 : memref<1x128xi32, #tpu.memory_space<vmem>> -> memref<128xi32, #tpu.memory_space<vmem>>
      %dma_wait3A_121 = arith.constant 0 : i32
      %dma_wait3A_122 = arith.constant 0 : i32
      %dma_wait3A_123 = tpu.memref_slice %arg3[%dma_wait3A_121, %dma_wait3A_122] : memref<1000000x128xf32, #tpu.memory_space<hbm>> -> memref<1000000x128xf32, #tpu.memory_space<hbm>>
      tpu.wait_indirect_dma semaphore(%arg9 : memref<!tpu.dma_semaphore, #tpu.memory_space<semaphore_mem>>) src(%dma_wait3A_123 : memref<1000000x128xf32, #tpu.memory_space<hbm>>) dst(%dma_wait3A_117 : memref<128x128xf32, #tpu.memory_space<vmem>>)
      %ge3A = arith.constant 2 : i32
      %ge3A_124 = arith.cmpi sge, %add3A_93, %ge3A : i32
      %convert_element_type3A = arith.extui %ge3A_124 : i1 to i32
      %cond3A = arith.constant 0 : i32
      %cond3A_125 = arith.cmpi ne, %convert_element_type3A, %cond3A : i32
      scf.if %cond3A_125 {
        %sub3A = arith.constant 2 : i32
        %sub3A_227 = arith.subi %add3A_93, %sub3A : i32
        %mul3A_228 = arith.constant 256 : i32
        %mul3A_229 = arith.muli %sub3A_227, %mul3A_228 : i32
        %add3A_230 = arith.addi %mul3A_2, %mul3A_229 : i32
        %multiple_of3A_231 = tpu.assume_multiple %add3A_230, 8 : i32
        %dma_wait3A_232 = arith.constant 0 : i32
        %dma_wait3A_233 = arith.constant 0 : i32
        %dma_wait3A_234 = arith.constant 0 : i32
        %dma_wait3A_235 = tpu.memref_slice %arg7[%dma_wait3A_232, %dma_wait3A_233, %dma_wait3A_234] : memref<2x256x128xf32, #tpu.memory_space<vmem>> -> memref<1x256x128xf32, #tpu.memory_space<vmem>>
        %dma_wait3A_236 = tpu.memref_squeeze %dma_wait3A_235 : memref<1x256x128xf32, #tpu.memory_space<vmem>> -> memref<256x128xf32, #tpu.memory_space<vmem>>
        %dma_wait3A_237 = arith.constant 0 : i32
        %dma_wait3A_238 = tpu.memref_slice %arg5[%multiple_of3A_231, %dma_wait3A_237] : memref<819200x128xf32, #tpu.memory_space<hbm>> -> memref<256x128xf32, #tpu.memory_space<hbm>>
        %dma_wait3A_239 = arith.constant 0 : i32
        %dma_wait3A_240 = tpu.memref_slice %arg5[%multiple_of3A_231, %dma_wait3A_239] : memref<819200x128xf32, #tpu.memory_space<hbm>> -> memref<256x128xf32, #tpu.memory_space<hbm>>
        %dma_wait3A_241 = arith.constant 0 : i32
        %dma_wait3A_242 = arith.constant 0 : i32
        %dma_wait3A_243 = tpu.memref_slice %arg7[%dma_wait3A_232, %dma_wait3A_241, %dma_wait3A_242] : memref<2x256x128xf32, #tpu.memory_space<vmem>> -> memref<1x256x128xf32, #tpu.memory_space<vmem>>
        %dma_wait3A_244 = tpu.memref_squeeze %dma_wait3A_243 : memref<1x256x128xf32, #tpu.memory_space<vmem>> -> memref<256x128xf32, #tpu.memory_space<vmem>>
        tpu.wait_dma2 semaphore(%arg11 : memref<!tpu.dma_semaphore, #tpu.memory_space<semaphore_mem>>) src(%dma_wait3A_244 : memref<256x128xf32, #tpu.memory_space<vmem>>) dst(%dma_wait3A_240 : memref<256x128xf32, #tpu.memory_space<hbm>>)
      } else {
      }
      %mul3A_126 = arith.constant 256 : i32
      %mul3A_127 = arith.muli %add3A_93, %mul3A_126 : i32
      %rem3A = arith.constant 200 : i32
      %rem3A_128 = arith.remsi %mul3A_127, %rem3A : i32
      %scan3A_129 = arith.constant 0 : i32
      %scan3A_130 = arith.constant 256 : i32
      %scan3A_131 = arith.addi %scan3A_129, %scan3A_130 : i32
      %scan3A_132 = arith.constant 1 : i32
      scf.for %scan3A_227 = %scan3A_129 to %scan3A_131 step %scan3A_132  : i32 {
        %mul3A_228 = arith.constant 1 : i32
        %mul3A_229 = arith.muli %scan3A_227, %mul3A_228 : i32
        %add3A_230 = arith.constant 0 : i32
        %add3A_231 = arith.addi %add3A_230, %mul3A_229 : i32
        %add3A_232 = arith.addi %rem3A_128, %add3A_231 : i32
        %ge3A_233 = arith.constant 400 : i32
        %ge3A_234 = arith.cmpi sge, %add3A_232, %ge3A_233 : i32
        %sub3A = arith.constant 400 : i32
        %sub3A_235 = arith.subi %add3A_232, %sub3A : i32
        %ge3A_236 = arith.constant 200 : i32
        %ge3A_237 = arith.cmpi sge, %add3A_232, %ge3A_236 : i32
        %sub3A_238 = arith.constant 200 : i32
        %sub3A_239 = arith.subi %add3A_232, %sub3A_238 : i32
        %select_n3A = arith.select %ge3A_237, %sub3A_239, %add3A_232 : i32
        %select_n3A_240 = arith.select %ge3A_234, %sub3A_235, %select_n3A : i32
        %mul3A_241 = arith.constant 64 : i32
        %mul3A_242 = arith.muli %select_n3A_240, %mul3A_241 : i32
        %add3A_243 = arith.constant 0 : i32
        %add3A_244 = arith.addi %mul3A_242, %add3A_243 : i32
        %get3A = arith.index_cast %add3A_244 : i32 to index
        %get3A_245 = tpu.vector_load %arg8[%get3A] {strides = array<i32>} : memref<12800xf32, #tpu.memory_space<vmem>>, vector<16xf32>,
        %get3A_246 = vector.shape_cast %get3A_245 : vector<16xf32> to vector<16xf32>
        %swap3A = arith.constant 0 : i32
        %swap3A_247 = arith.index_cast %swap3A : i32 to index
        %swap3A_248 = arith.index_cast %add3A_231 : i32 to index
        %swap3A_249 = arith.constant 0 : index
        %swap3A_250 = tpu.vector_load %arg7[%swap3A_247, %swap3A_248, %swap3A_249] {strides = array<i32>} : memref<2x256x128xf32, #tpu.memory_space<vmem>>, vector<1x1x16xf32>,
        %swap3A_251 = vector.shape_cast %swap3A_250 : vector<1x1x16xf32> to vector<16xf32>
        %swap3A_252 = vector.shape_cast %get3A_246 : vector<16xf32> to vector<1x1x16xf32>
        tpu.vector_store %arg7[%swap3A_247, %swap3A_248, %swap3A_249], %swap3A_252 {add = true, strides = array<i32>} : memref<2x256x128xf32, #tpu.memory_space<vmem>>, vector<1x1x16xf32>,
        %mul3A_253 = arith.constant 64 : i32
        %mul3A_254 = arith.muli %select_n3A_240, %mul3A_253 : i32
        %add3A_255 = arith.constant 16 : i32
        %add3A_256 = arith.addi %mul3A_254, %add3A_255 : i32
        %get3A_257 = arith.index_cast %add3A_256 : i32 to index
        %get3A_258 = tpu.vector_load %arg8[%get3A_257] {strides = array<i32>} : memref<12800xf32, #tpu.memory_space<vmem>>, vector<16xf32>,
        %get3A_259 = vector.shape_cast %get3A_258 : vector<16xf32> to vector<16xf32>
        %swap3A_260 = arith.constant 0 : i32
        %swap3A_261 = arith.index_cast %swap3A_260 : i32 to index
        %swap3A_262 = arith.index_cast %add3A_231 : i32 to index
        %swap3A_263 = arith.constant 16 : index
        %swap3A_264 = tpu.vector_load %arg7[%swap3A_261, %swap3A_262, %swap3A_263] {strides = array<i32>} : memref<2x256x128xf32, #tpu.memory_space<vmem>>, vector<1x1x16xf32>,
        %swap3A_265 = vector.shape_cast %swap3A_264 : vector<1x1x16xf32> to vector<16xf32>
        %swap3A_266 = vector.shape_cast %get3A_259 : vector<16xf32> to vector<1x1x16xf32>
        tpu.vector_store %arg7[%swap3A_261, %swap3A_262, %swap3A_263], %swap3A_266 {add = true, strides = array<i32>} : memref<2x256x128xf32, #tpu.memory_space<vmem>>, vector<1x1x16xf32>,
        %mul3A_267 = arith.constant 64 : i32
        %mul3A_268 = arith.muli %select_n3A_240, %mul3A_267 : i32
        %add3A_269 = arith.constant 32 : i32
        %add3A_270 = arith.addi %mul3A_268, %add3A_269 : i32
        %get3A_271 = arith.index_cast %add3A_270 : i32 to index
        %get3A_272 = tpu.vector_load %arg8[%get3A_271] {strides = array<i32>} : memref<12800xf32, #tpu.memory_space<vmem>>, vector<16xf32>,
        %get3A_273 = vector.shape_cast %get3A_272 : vector<16xf32> to vector<16xf32>
        %swap3A_274 = arith.constant 0 : i32
        %swap3A_275 = arith.index_cast %swap3A_274 : i32 to index
        %swap3A_276 = arith.index_cast %add3A_231 : i32 to index
        %swap3A_277 = arith.constant 32 : index
        %swap3A_278 = tpu.vector_load %arg7[%swap3A_275, %swap3A_276, %swap3A_277] {strides = array<i32>} : memref<2x256x128xf32, #tpu.memory_space<vmem>>, vector<1x1x16xf32>,
        %swap3A_279 = vector.shape_cast %swap3A_278 : vector<1x1x16xf32> to vector<16xf32>
        %swap3A_280 = vector.shape_cast %get3A_273 : vector<16xf32> to vector<1x1x16xf32>
        tpu.vector_store %arg7[%swap3A_275, %swap3A_276, %swap3A_277], %swap3A_280 {add = true, strides = array<i32>} : memref<2x256x128xf32, #tpu.memory_space<vmem>>, vector<1x1x16xf32>,
        %mul3A_281 = arith.constant 64 : i32
        %mul3A_282 = arith.muli %select_n3A_240, %mul3A_281 : i32
        %add3A_283 = arith.constant 48 : i32
        %add3A_284 = arith.addi %mul3A_282, %add3A_283 : i32
        %get3A_285 = arith.index_cast %add3A_284 : i32 to index
        %get3A_286 = tpu.vector_load %arg8[%get3A_285] {strides = array<i32>} : memref<12800xf32, #tpu.memory_space<vmem>>, vector<16xf32>,
        %get3A_287 = vector.shape_cast %get3A_286 : vector<16xf32> to vector<16xf32>
        %swap3A_288 = arith.constant 0 : i32
        %swap3A_289 = arith.index_cast %swap3A_288 : i32 to index
        %swap3A_290 = arith.index_cast %add3A_231 : i32 to index
        %swap3A_291 = arith.constant 48 : index
        %swap3A_292 = tpu.vector_load %arg7[%swap3A_289, %swap3A_290, %swap3A_291] {strides = array<i32>} : memref<2x256x128xf32, #tpu.memory_space<vmem>>, vector<1x1x16xf32>,
        %swap3A_293 = vector.shape_cast %swap3A_292 : vector<1x1x16xf32> to vector<16xf32>
        %swap3A_294 = vector.shape_cast %get3A_287 : vector<16xf32> to vector<1x1x16xf32>
        tpu.vector_store %arg7[%swap3A_289, %swap3A_290, %swap3A_291], %swap3A_294 {add = true, strides = array<i32>} : memref<2x256x128xf32, #tpu.memory_space<vmem>>, vector<1x1x16xf32>,
      }
      %scan3A_133 = arith.constant 256 : i32
      %add3A_134 = arith.constant 2 : i32
      %add3A_135 = arith.addi %add3A_93, %add3A_134 : i32
      %lt3A = arith.constant 100 : i32
      %lt3A_136 = arith.cmpi slt, %add3A_135, %lt3A : i32
      %convert_element_type3A_137 = arith.extui %lt3A_136 : i1 to i32
      %cond3A_138 = arith.constant 0 : i32
      %cond3A_139 = arith.cmpi ne, %convert_element_type3A_137, %cond3A_138 : i32
      scf.if %cond3A_139 {
        %add3A_227 = arith.constant 2 : i32
        %add3A_228 = arith.addi %add3A_93, %add3A_227 : i32
        %mul3A_229 = arith.constant 2 : i32
        %mul3A_230 = arith.muli %add3A_228, %mul3A_229 : i32
        %add3A_231 = arith.constant 0 : i32
        %add3A_232 = arith.addi %mul3A_230, %add3A_231 : i32
        %mul3A_233 = arith.constant 2 : i32
        %mul3A_234 = arith.muli %add3A_228, %mul3A_233 : i32
        %add3A_235 = arith.constant 1 : i32
        %add3A_236 = arith.addi %mul3A_234, %add3A_235 : i32
        %dma_start3A_237 = arith.constant 0 : i32
        %dma_start3A_238 = arith.constant 0 : i32
        %dma_start3A_239 = arith.constant 0 : i32
        %dma_start3A_240 = tpu.memref_slice %arg7[%dma_start3A_237, %dma_start3A_238, %dma_start3A_239] : memref<2x256x128xf32, #tpu.memory_space<vmem>> -> memref<1x128x128xf32, #tpu.memory_space<vmem>>
        %dma_start3A_241 = tpu.memref_squeeze %dma_start3A_240 : memref<1x128x128xf32, #tpu.memory_space<vmem>> -> memref<128x128xf32, #tpu.memory_space<vmem>>
        %dma_start3A_242 = arith.constant 0 : i32
        %dma_start3A_243 = tpu.memref_slice %arg6[%add3A_232, %dma_start3A_242] : memref<200x128xi32, #tpu.memory_space<vmem>> -> memref<1x128xi32, #tpu.memory_space<vmem>>
        %dma_start3A_244 = tpu.memref_squeeze %dma_start3A_243 : memref<1x128xi32, #tpu.memory_space<vmem>> -> memref<128xi32, #tpu.memory_space<vmem>>
        %dma_start3A_245 = arith.constant 0 : i32
        %dma_start3A_246 = arith.constant 0 : i32
        %dma_start3A_247 = tpu.memref_slice %arg3[%dma_start3A_245, %dma_start3A_246] : memref<1000000x128xf32, #tpu.memory_space<hbm>> -> memref<1000000x128xf32, #tpu.memory_space<hbm>>
        tpu.enqueue_indirect_dma source(%dma_start3A_247 : memref<1000000x128xf32, #tpu.memory_space<hbm>>) target(%dma_start3A_241 : memref<128x128xf32, #tpu.memory_space<vmem>>) offsets(%dma_start3A_244 : memref<128xi32, #tpu.memory_space<vmem>>) semaphore(%arg9 : memref<!tpu.dma_semaphore, #tpu.memory_space<semaphore_mem>>)
        %dma_start3A_248 = arith.constant 0 : i32
        %dma_start3A_249 = arith.constant 128 : i32
        %dma_start3A_250 = arith.constant 0 : i32
        %dma_start3A_251 = tpu.memref_slice %arg7[%dma_start3A_248, %dma_start3A_249, %dma_start3A_250] : memref<2x256x128xf32, #tpu.memory_space<vmem>> -> memref<1x128x128xf32, #tpu.memory_space<vmem>>
        %dma_start3A_252 = tpu.memref_squeeze %dma_start3A_251 : memref<1x128x128xf32, #tpu.memory_space<vmem>> -> memref<128x128xf32, #tpu.memory_space<vmem>>
        %dma_start3A_253 = arith.constant 0 : i32
        %dma_start3A_254 = tpu.memref_slice %arg6[%add3A_236, %dma_start3A_253] : memref<200x128xi32, #tpu.memory_space<vmem>> -> memref<1x128xi32, #tpu.memory_space<vmem>>
        %dma_start3A_255 = tpu.memref_squeeze %dma_start3A_254 : memref<1x128xi32, #tpu.memory_space<vmem>> -> memref<128xi32, #tpu.memory_space<vmem>>
        %dma_start3A_256 = arith.constant 0 : i32
        %dma_start3A_257 = arith.constant 0 : i32
        %dma_start3A_258 = tpu.memref_slice %arg3[%dma_start3A_256, %dma_start3A_257] : memref<1000000x128xf32, #tpu.memory_space<hbm>> -> memref<1000000x128xf32, #tpu.memory_space<hbm>>
        tpu.enqueue_indirect_dma source(%dma_start3A_258 : memref<1000000x128xf32, #tpu.memory_space<hbm>>) target(%dma_start3A_252 : memref<128x128xf32, #tpu.memory_space<vmem>>) offsets(%dma_start3A_255 : memref<128xi32, #tpu.memory_space<vmem>>) semaphore(%arg9 : memref<!tpu.dma_semaphore, #tpu.memory_space<semaphore_mem>>)
      } else {
      }
      %mul3A_140 = arith.constant 256 : i32
      %mul3A_141 = arith.muli %add3A_93, %mul3A_140 : i32
      %add3A_142 = arith.addi %mul3A_2, %mul3A_141 : i32
      %multiple_of3A_143 = tpu.assume_multiple %add3A_142, 8 : i32
      %dma_start3A_144 = arith.constant 0 : i32
      %dma_start3A_145 = arith.constant 0 : i32
      %dma_start3A_146 = arith.constant 0 : i32
      %dma_start3A_147 = tpu.memref_slice %arg7[%dma_start3A_144, %dma_start3A_145, %dma_start3A_146] : memref<2x256x128xf32, #tpu.memory_space<vmem>> -> memref<1x256x128xf32, #tpu.memory_space<vmem>>
      %dma_start3A_148 = tpu.memref_squeeze %dma_start3A_147 : memref<1x256x128xf32, #tpu.memory_space<vmem>> -> memref<256x128xf32, #tpu.memory_space<vmem>>
      %dma_start3A_149 = arith.constant 0 : i32
      %dma_start3A_150 = tpu.memref_slice %arg5[%multiple_of3A_143, %dma_start3A_149] : memref<819200x128xf32, #tpu.memory_space<hbm>> -> memref<256x128xf32, #tpu.memory_space<hbm>>
      %dma_start3A_151 = arith.constant 0 : i32
      %dma_start3A_152 = tpu.memref_slice %arg5[%multiple_of3A_143, %dma_start3A_151] : memref<819200x128xf32, #tpu.memory_space<hbm>> -> memref<256x128xf32, #tpu.memory_space<hbm>>
      %dma_start3A_153 = arith.constant 0 : i32
      %dma_start3A_154 = arith.constant 0 : i32
      %dma_start3A_155 = tpu.memref_slice %arg7[%dma_start3A_144, %dma_start3A_153, %dma_start3A_154] : memref<2x256x128xf32, #tpu.memory_space<vmem>> -> memref<1x256x128xf32, #tpu.memory_space<vmem>>
      %dma_start3A_156 = tpu.memref_squeeze %dma_start3A_155 : memref<1x256x128xf32, #tpu.memory_space<vmem>> -> memref<256x128xf32, #tpu.memory_space<vmem>>
      tpu.enqueue_dma source(%dma_start3A_156 : memref<256x128xf32, #tpu.memory_space<vmem>>) target(%dma_start3A_152 : memref<256x128xf32, #tpu.memory_space<hbm>>) target_semaphore(%arg11 : memref<!tpu.dma_semaphore, #tpu.memory_space<semaphore_mem>>)
      %add3A_157 = arith.constant 1 : i32
      %add3A_158 = arith.addi %add3A_91, %add3A_157 : i32
      %mul3A_159 = arith.constant 2 : i32
      %mul3A_160 = arith.muli %add3A_158, %mul3A_159 : i32
      %add3A_161 = arith.constant 0 : i32
      %add3A_162 = arith.addi %mul3A_160, %add3A_161 : i32
      %mul3A_163 = arith.constant 2 : i32
      %mul3A_164 = arith.muli %add3A_158, %mul3A_163 : i32
      %add3A_165 = arith.constant 1 : i32
      %add3A_166 = arith.addi %mul3A_164, %add3A_165 : i32
      %dma_wait3A_167 = arith.constant 1 : i32
      %dma_wait3A_168 = arith.constant 0 : i32
      %dma_wait3A_169 = arith.constant 0 : i32
      %dma_wait3A_170 = tpu.memref_slice %arg7[%dma_wait3A_167, %dma_wait3A_168, %dma_wait3A_169] : memref<2x256x128xf32, #tpu.memory_space<vmem>> -> memref<1x128x128xf32, #tpu.memory_space<vmem>>
      %dma_wait3A_171 = tpu.memref_squeeze %dma_wait3A_170 : memref<1x128x128xf32, #tpu.memory_space<vmem>> -> memref<128x128xf32, #tpu.memory_space<vmem>>
      %dma_wait3A_172 = arith.constant 0 : i32
      %dma_wait3A_173 = tpu.memref_slice %arg6[%add3A_162, %dma_wait3A_172] : memref<200x128xi32, #tpu.memory_space<vmem>> -> memref<1x128xi32, #tpu.memory_space<vmem>>
      %dma_wait3A_174 = tpu.memref_squeeze %dma_wait3A_173 : memref<1x128xi32, #tpu.memory_space<vmem>> -> memref<128xi32, #tpu.memory_space<vmem>>
      %dma_wait3A_175 = arith.constant 0 : i32
      %dma_wait3A_176 = arith.constant 0 : i32
      %dma_wait3A_177 = tpu.memref_slice %arg3[%dma_wait3A_175, %dma_wait3A_176] : memref<1000000x128xf32, #tpu.memory_space<hbm>> -> memref<1000000x128xf32, #tpu.memory_space<hbm>>
      tpu.wait_indirect_dma semaphore(%arg10 : memref<!tpu.dma_semaphore, #tpu.memory_space<semaphore_mem>>) src(%dma_wait3A_177 : memref<1000000x128xf32, #tpu.memory_space<hbm>>) dst(%dma_wait3A_171 : memref<128x128xf32, #tpu.memory_space<vmem>>)
      %dma_wait3A_178 = arith.constant 1 : i32
      %dma_wait3A_179 = arith.constant 128 : i32
      %dma_wait3A_180 = arith.constant 0 : i32
      %dma_wait3A_181 = tpu.memref_slice %arg7[%dma_wait3A_178, %dma_wait3A_179, %dma_wait3A_180] : memref<2x256x128xf32, #tpu.memory_space<vmem>> -> memref<1x128x128xf32, #tpu.memory_space<vmem>>
      %dma_wait3A_182 = tpu.memref_squeeze %dma_wait3A_181 : memref<1x128x128xf32, #tpu.memory_space<vmem>> -> memref<128x128xf32, #tpu.memory_space<vmem>>
      %dma_wait3A_183 = arith.constant 0 : i32
      %dma_wait3A_184 = tpu.memref_slice %arg6[%add3A_166, %dma_wait3A_183] : memref<200x128xi32, #tpu.memory_space<vmem>> -> memref<1x128xi32, #tpu.memory_space<vmem>>
      %dma_wait3A_185 = tpu.memref_squeeze %dma_wait3A_184 : memref<1x128xi32, #tpu.memory_space<vmem>> -> memref<128xi32, #tpu.memory_space<vmem>>
      %dma_wait3A_186 = arith.constant 0 : i32
      %dma_wait3A_187 = arith.constant 0 : i32
      %dma_wait3A_188 = tpu.memref_slice %arg3[%dma_wait3A_186, %dma_wait3A_187] : memref<1000000x128xf32, #tpu.memory_space<hbm>> -> memref<1000000x128xf32, #tpu.memory_space<hbm>>
      tpu.wait_indirect_dma semaphore(%arg10 : memref<!tpu.dma_semaphore, #tpu.memory_space<semaphore_mem>>) src(%dma_wait3A_188 : memref<1000000x128xf32, #tpu.memory_space<hbm>>) dst(%dma_wait3A_182 : memref<128x128xf32, #tpu.memory_space<vmem>>)
      %ge3A_189 = arith.constant 2 : i32
      %ge3A_190 = arith.cmpi sge, %add3A_158, %ge3A_189 : i32
      %convert_element_type3A_191 = arith.extui %ge3A_190 : i1 to i32
      %cond3A_192 = arith.constant 0 : i32
      %cond3A_193 = arith.cmpi ne, %convert_element_type3A_191, %cond3A_192 : i32
      scf.if %cond3A_193 {
        %sub3A = arith.constant 2 : i32
        %sub3A_227 = arith.subi %add3A_158, %sub3A : i32
        %mul3A_228 = arith.constant 256 : i32
        %mul3A_229 = arith.muli %sub3A_227, %mul3A_228 : i32
        %add3A_230 = arith.addi %mul3A_2, %mul3A_229 : i32
        %multiple_of3A_231 = tpu.assume_multiple %add3A_230, 8 : i32
        %dma_wait3A_232 = arith.constant 1 : i32
        %dma_wait3A_233 = arith.constant 0 : i32
        %dma_wait3A_234 = arith.constant 0 : i32
        %dma_wait3A_235 = tpu.memref_slice %arg7[%dma_wait3A_232, %dma_wait3A_233, %dma_wait3A_234] : memref<2x256x128xf32, #tpu.memory_space<vmem>> -> memref<1x256x128xf32, #tpu.memory_space<vmem>>
        %dma_wait3A_236 = tpu.memref_squeeze %dma_wait3A_235 : memref<1x256x128xf32, #tpu.memory_space<vmem>> -> memref<256x128xf32, #tpu.memory_space<vmem>>
        %dma_wait3A_237 = arith.constant 0 : i32
        %dma_wait3A_238 = tpu.memref_slice %arg5[%multiple_of3A_231, %dma_wait3A_237] : memref<819200x128xf32, #tpu.memory_space<hbm>> -> memref<256x128xf32, #tpu.memory_space<hbm>>
        %dma_wait3A_239 = arith.constant 0 : i32
        %dma_wait3A_240 = tpu.memref_slice %arg5[%multiple_of3A_231, %dma_wait3A_239] : memref<819200x128xf32, #tpu.memory_space<hbm>> -> memref<256x128xf32, #tpu.memory_space<hbm>>
        %dma_wait3A_241 = arith.constant 0 : i32
        %dma_wait3A_242 = arith.constant 0 : i32
        %dma_wait3A_243 = tpu.memref_slice %arg7[%dma_wait3A_232, %dma_wait3A_241, %dma_wait3A_242] : memref<2x256x128xf32, #tpu.memory_space<vmem>> -> memref<1x256x128xf32, #tpu.memory_space<vmem>>
        %dma_wait3A_244 = tpu.memref_squeeze %dma_wait3A_243 : memref<1x256x128xf32, #tpu.memory_space<vmem>> -> memref<256x128xf32, #tpu.memory_space<vmem>>
        tpu.wait_dma2 semaphore(%arg12 : memref<!tpu.dma_semaphore, #tpu.memory_space<semaphore_mem>>) src(%dma_wait3A_244 : memref<256x128xf32, #tpu.memory_space<vmem>>) dst(%dma_wait3A_240 : memref<256x128xf32, #tpu.memory_space<hbm>>)
      } else {
      }
      %mul3A_194 = arith.constant 256 : i32
      %mul3A_195 = arith.muli %add3A_158, %mul3A_194 : i32
      %rem3A_196 = arith.constant 200 : i32
      %rem3A_197 = arith.remsi %mul3A_195, %rem3A_196 : i32
      %scan3A_198 = arith.constant 0 : i32
      %scan3A_199 = arith.constant 256 : i32
      %scan3A_200 = arith.addi %scan3A_198, %scan3A_199 : i32
      %scan3A_201 = arith.constant 1 : i32
      scf.for %scan3A_227 = %scan3A_198 to %scan3A_200 step %scan3A_201  : i32 {
        %mul3A_228 = arith.constant 1 : i32
        %mul3A_229 = arith.muli %scan3A_227, %mul3A_228 : i32
        %add3A_230 = arith.constant 0 : i32
        %add3A_231 = arith.addi %add3A_230, %mul3A_229 : i32
        %add3A_232 = arith.addi %rem3A_197, %add3A_231 : i32
        %ge3A_233 = arith.constant 400 : i32
        %ge3A_234 = arith.cmpi sge, %add3A_232, %ge3A_233 : i32
        %sub3A = arith.constant 400 : i32
        %sub3A_235 = arith.subi %add3A_232, %sub3A : i32
        %ge3A_236 = arith.constant 200 : i32
        %ge3A_237 = arith.cmpi sge, %add3A_232, %ge3A_236 : i32
        %sub3A_238 = arith.constant 200 : i32
        %sub3A_239 = arith.subi %add3A_232, %sub3A_238 : i32
        %select_n3A = arith.select %ge3A_237, %sub3A_239, %add3A_232 : i32
        %select_n3A_240 = arith.select %ge3A_234, %sub3A_235, %select_n3A : i32
        %mul3A_241 = arith.constant 64 : i32
        %mul3A_242 = arith.muli %select_n3A_240, %mul3A_241 : i32
        %add3A_243 = arith.constant 0 : i32
        %add3A_244 = arith.addi %mul3A_242, %add3A_243 : i32
        %get3A = arith.index_cast %add3A_244 : i32 to index
        %get3A_245 = tpu.vector_load %arg8[%get3A] {strides = array<i32>} : memref<12800xf32, #tpu.memory_space<vmem>>, vector<16xf32>,
        %get3A_246 = vector.shape_cast %get3A_245 : vector<16xf32> to vector<16xf32>
        %swap3A = arith.constant 1 : i32
        %swap3A_247 = arith.index_cast %swap3A : i32 to index
        %swap3A_248 = arith.index_cast %add3A_231 : i32 to index
        %swap3A_249 = arith.constant 0 : index
        %swap3A_250 = tpu.vector_load %arg7[%swap3A_247, %swap3A_248, %swap3A_249] {strides = array<i32>} : memref<2x256x128xf32, #tpu.memory_space<vmem>>, vector<1x1x16xf32>,
        %swap3A_251 = vector.shape_cast %swap3A_250 : vector<1x1x16xf32> to vector<16xf32>
        %swap3A_252 = vector.shape_cast %get3A_246 : vector<16xf32> to vector<1x1x16xf32>
        tpu.vector_store %arg7[%swap3A_247, %swap3A_248, %swap3A_249], %swap3A_252 {add = true, strides = array<i32>} : memref<2x256x128xf32, #tpu.memory_space<vmem>>, vector<1x1x16xf32>,
        %mul3A_253 = arith.constant 64 : i32
        %mul3A_254 = arith.muli %select_n3A_240, %mul3A_253 : i32
        %add3A_255 = arith.constant 16 : i32
        %add3A_256 = arith.addi %mul3A_254, %add3A_255 : i32
        %get3A_257 = arith.index_cast %add3A_256 : i32 to index
        %get3A_258 = tpu.vector_load %arg8[%get3A_257] {strides = array<i32>} : memref<12800xf32, #tpu.memory_space<vmem>>, vector<16xf32>,
        %get3A_259 = vector.shape_cast %get3A_258 : vector<16xf32> to vector<16xf32>
        %swap3A_260 = arith.constant 1 : i32
        %swap3A_261 = arith.index_cast %swap3A_260 : i32 to index
        %swap3A_262 = arith.index_cast %add3A_231 : i32 to index
        %swap3A_263 = arith.constant 16 : index
        %swap3A_264 = tpu.vector_load %arg7[%swap3A_261, %swap3A_262, %swap3A_263] {strides = array<i32>} : memref<2x256x128xf32, #tpu.memory_space<vmem>>, vector<1x1x16xf32>,
        %swap3A_265 = vector.shape_cast %swap3A_264 : vector<1x1x16xf32> to vector<16xf32>
        %swap3A_266 = vector.shape_cast %get3A_259 : vector<16xf32> to vector<1x1x16xf32>
        tpu.vector_store %arg7[%swap3A_261, %swap3A_262, %swap3A_263], %swap3A_266 {add = true, strides = array<i32>} : memref<2x256x128xf32, #tpu.memory_space<vmem>>, vector<1x1x16xf32>,
        %mul3A_267 = arith.constant 64 : i32
        %mul3A_268 = arith.muli %select_n3A_240, %mul3A_267 : i32
        %add3A_269 = arith.constant 32 : i32
        %add3A_270 = arith.addi %mul3A_268, %add3A_269 : i32
        %get3A_271 = arith.index_cast %add3A_270 : i32 to index
        %get3A_272 = tpu.vector_load %arg8[%get3A_271] {strides = array<i32>} : memref<12800xf32, #tpu.memory_space<vmem>>, vector<16xf32>,
        %get3A_273 = vector.shape_cast %get3A_272 : vector<16xf32> to vector<16xf32>
        %swap3A_274 = arith.constant 1 : i32
        %swap3A_275 = arith.index_cast %swap3A_274 : i32 to index
        %swap3A_276 = arith.index_cast %add3A_231 : i32 to index
        %swap3A_277 = arith.constant 32 : index
        %swap3A_278 = tpu.vector_load %arg7[%swap3A_275, %swap3A_276, %swap3A_277] {strides = array<i32>} : memref<2x256x128xf32, #tpu.memory_space<vmem>>, vector<1x1x16xf32>,
        %swap3A_279 = vector.shape_cast %swap3A_278 : vector<1x1x16xf32> to vector<16xf32>
        %swap3A_280 = vector.shape_cast %get3A_273 : vector<16xf32> to vector<1x1x16xf32>
        tpu.vector_store %arg7[%swap3A_275, %swap3A_276, %swap3A_277], %swap3A_280 {add = true, strides = array<i32>} : memref<2x256x128xf32, #tpu.memory_space<vmem>>, vector<1x1x16xf32>,
        %mul3A_281 = arith.constant 64 : i32
        %mul3A_282 = arith.muli %select_n3A_240, %mul3A_281 : i32
        %add3A_283 = arith.constant 48 : i32
        %add3A_284 = arith.addi %mul3A_282, %add3A_283 : i32
        %get3A_285 = arith.index_cast %add3A_284 : i32 to index
        %get3A_286 = tpu.vector_load %arg8[%get3A_285] {strides = array<i32>} : memref<12800xf32, #tpu.memory_space<vmem>>, vector<16xf32>,
        %get3A_287 = vector.shape_cast %get3A_286 : vector<16xf32> to vector<16xf32>
        %swap3A_288 = arith.constant 1 : i32
        %swap3A_289 = arith.index_cast %swap3A_288 : i32 to index
        %swap3A_290 = arith.index_cast %add3A_231 : i32 to index
        %swap3A_291 = arith.constant 48 : index
        %swap3A_292 = tpu.vector_load %arg7[%swap3A_289, %swap3A_290, %swap3A_291] {strides = array<i32>} : memref<2x256x128xf32, #tpu.memory_space<vmem>>, vector<1x1x16xf32>,
        %swap3A_293 = vector.shape_cast %swap3A_292 : vector<1x1x16xf32> to vector<16xf32>
        %swap3A_294 = vector.shape_cast %get3A_287 : vector<16xf32> to vector<1x1x16xf32>
        tpu.vector_store %arg7[%swap3A_289, %swap3A_290, %swap3A_291], %swap3A_294 {add = true, strides = array<i32>} : memref<2x256x128xf32, #tpu.memory_space<vmem>>, vector<1x1x16xf32>,
      }
      %scan3A_202 = arith.constant 256 : i32
      %add3A_203 = arith.constant 2 : i32
      %add3A_204 = arith.addi %add3A_158, %add3A_203 : i32
      %lt3A_205 = arith.constant 100 : i32
      %lt3A_206 = arith.cmpi slt, %add3A_204, %lt3A_205 : i32
      %convert_element_type3A_207 = arith.extui %lt3A_206 : i1 to i32
      %cond3A_208 = arith.constant 0 : i32
      %cond3A_209 = arith.cmpi ne, %convert_element_type3A_207, %cond3A_208 : i32
      scf.if %cond3A_209 {
        %add3A_227 = arith.constant 2 : i32
        %add3A_228 = arith.addi %add3A_158, %add3A_227 : i32
        %mul3A_229 = arith.constant 2 : i32
        %mul3A_230 = arith.muli %add3A_228, %mul3A_229 : i32
        %add3A_231 = arith.constant 0 : i32
        %add3A_232 = arith.addi %mul3A_230, %add3A_231 : i32
        %mul3A_233 = arith.constant 2 : i32
        %mul3A_234 = arith.muli %add3A_228, %mul3A_233 : i32
        %add3A_235 = arith.constant 1 : i32
        %add3A_236 = arith.addi %mul3A_234, %add3A_235 : i32
        %dma_start3A_237 = arith.constant 1 : i32
        %dma_start3A_238 = arith.constant 0 : i32
        %dma_start3A_239 = arith.constant 0 : i32
        %dma_start3A_240 = tpu.memref_slice %arg7[%dma_start3A_237, %dma_start3A_238, %dma_start3A_239] : memref<2x256x128xf32, #tpu.memory_space<vmem>> -> memref<1x128x128xf32, #tpu.memory_space<vmem>>
        %dma_start3A_241 = tpu.memref_squeeze %dma_start3A_240 : memref<1x128x128xf32, #tpu.memory_space<vmem>> -> memref<128x128xf32, #tpu.memory_space<vmem>>
        %dma_start3A_242 = arith.constant 0 : i32
        %dma_start3A_243 = tpu.memref_slice %arg6[%add3A_232, %dma_start3A_242] : memref<200x128xi32, #tpu.memory_space<vmem>> -> memref<1x128xi32, #tpu.memory_space<vmem>>
        %dma_start3A_244 = tpu.memref_squeeze %dma_start3A_243 : memref<1x128xi32, #tpu.memory_space<vmem>> -> memref<128xi32, #tpu.memory_space<vmem>>
        %dma_start3A_245 = arith.constant 0 : i32
        %dma_start3A_246 = arith.constant 0 : i32
        %dma_start3A_247 = tpu.memref_slice %arg3[%dma_start3A_245, %dma_start3A_246] : memref<1000000x128xf32, #tpu.memory_space<hbm>> -> memref<1000000x128xf32, #tpu.memory_space<hbm>>
        tpu.enqueue_indirect_dma source(%dma_start3A_247 : memref<1000000x128xf32, #tpu.memory_space<hbm>>) target(%dma_start3A_241 : memref<128x128xf32, #tpu.memory_space<vmem>>) offsets(%dma_start3A_244 : memref<128xi32, #tpu.memory_space<vmem>>) semaphore(%arg10 : memref<!tpu.dma_semaphore, #tpu.memory_space<semaphore_mem>>)
        %dma_start3A_248 = arith.constant 1 : i32
        %dma_start3A_249 = arith.constant 128 : i32
        %dma_start3A_250 = arith.constant 0 : i32
        %dma_start3A_251 = tpu.memref_slice %arg7[%dma_start3A_248, %dma_start3A_249, %dma_start3A_250] : memref<2x256x128xf32, #tpu.memory_space<vmem>> -> memref<1x128x128xf32, #tpu.memory_space<vmem>>
        %dma_start3A_252 = tpu.memref_squeeze %dma_start3A_251 : memref<1x128x128xf32, #tpu.memory_space<vmem>> -> memref<128x128xf32, #tpu.memory_space<vmem>>
        %dma_start3A_253 = arith.constant 0 : i32
        %dma_start3A_254 = tpu.memref_slice %arg6[%add3A_236, %dma_start3A_253] : memref<200x128xi32, #tpu.memory_space<vmem>> -> memref<1x128xi32, #tpu.memory_space<vmem>>
        %dma_start3A_255 = tpu.memref_squeeze %dma_start3A_254 : memref<1x128xi32, #tpu.memory_space<vmem>> -> memref<128xi32, #tpu.memory_space<vmem>>
        %dma_start3A_256 = arith.constant 0 : i32
        %dma_start3A_257 = arith.constant 0 : i32
        %dma_start3A_258 = tpu.memref_slice %arg3[%dma_start3A_256, %dma_start3A_257] : memref<1000000x128xf32, #tpu.memory_space<hbm>> -> memref<1000000x128xf32, #tpu.memory_space<hbm>>
        tpu.enqueue_indirect_dma source(%dma_start3A_258 : memref<1000000x128xf32, #tpu.memory_space<hbm>>) target(%dma_start3A_252 : memref<128x128xf32, #tpu.memory_space<vmem>>) offsets(%dma_start3A_255 : memref<128xi32, #tpu.memory_space<vmem>>) semaphore(%arg10 : memref<!tpu.dma_semaphore, #tpu.memory_space<semaphore_mem>>)
      } else {
      }
      %mul3A_210 = arith.constant 256 : i32
      %mul3A_211 = arith.muli %add3A_158, %mul3A_210 : i32
      %add3A_212 = arith.addi %mul3A_2, %mul3A_211 : i32
      %multiple_of3A_213 = tpu.assume_multiple %add3A_212, 8 : i32
      %dma_start3A_214 = arith.constant 1 : i32
      %dma_start3A_215 = arith.constant 0 : i32
      %dma_start3A_216 = arith.constant 0 : i32
      %dma_start3A_217 = tpu.memref_slice %arg7[%dma_start3A_214, %dma_start3A_215, %dma_start3A_216] : memref<2x256x128xf32, #tpu.memory_space<vmem>> -> memref<1x256x128xf32, #tpu.memory_space<vmem>>
      %dma_start3A_218 = tpu.memref_squeeze %dma_start3A_217 : memref<1x256x128xf32, #tpu.memory_space<vmem>> -> memref<256x128xf32, #tpu.memory_space<vmem>>
      %dma_start3A_219 = arith.constant 0 : i32
      %dma_start3A_220 = tpu.memref_slice %arg5[%multiple_of3A_213, %dma_start3A_219] : memref<819200x128xf32, #tpu.memory_space<hbm>> -> memref<256x128xf32, #tpu.memory_space<hbm>>
      %dma_start3A_221 = arith.constant 0 : i32
      %dma_start3A_222 = tpu.memref_slice %arg5[%multiple_of3A_213, %dma_start3A_221] : memref<819200x128xf32, #tpu.memory_space<hbm>> -> memref<256x128xf32, #tpu.memory_space<hbm>>
      %dma_start3A_223 = arith.constant 0 : i32
      %dma_start3A_224 = arith.constant 0 : i32
      %dma_start3A_225 = tpu.memref_slice %arg7[%dma_start3A_214, %dma_start3A_223, %dma_start3A_224] : memref<2x256x128xf32, #tpu.memory_space<vmem>> -> memref<1x256x128xf32, #tpu.memory_space<vmem>>
      %dma_start3A_226 = tpu.memref_squeeze %dma_start3A_225 : memref<1x256x128xf32, #tpu.memory_space<vmem>> -> memref<256x128xf32, #tpu.memory_space<vmem>>
      tpu.enqueue_dma source(%dma_start3A_226 : memref<256x128xf32, #tpu.memory_space<vmem>>) target(%dma_start3A_222 : memref<256x128xf32, #tpu.memory_space<hbm>>) target_semaphore(%arg12 : memref<!tpu.dma_semaphore, #tpu.memory_space<semaphore_mem>>)
    }
    %scan3A_55 = arith.constant 50 : i32
    %add3A_56 = arith.constant 25088 : i32
    %add3A_57 = arith.addi %mul3A_2, %add3A_56 : i32
    %multiple_of3A_58 = tpu.assume_multiple %add3A_57, 8 : i32
    %dma_wait3A = arith.constant 0 : i32
    %dma_wait3A_59 = arith.constant 0 : i32
    %dma_wait3A_60 = arith.constant 0 : i32
    %dma_wait3A_61 = tpu.memref_slice %arg7[%dma_wait3A, %dma_wait3A_59, %dma_wait3A_60] : memref<2x256x128xf32, #tpu.memory_space<vmem>> -> memref<1x256x128xf32, #tpu.memory_space<vmem>>
    %dma_wait3A_62 = tpu.memref_squeeze %dma_wait3A_61 : memref<1x256x128xf32, #tpu.memory_space<vmem>> -> memref<256x128xf32, #tpu.memory_space<vmem>>
    %dma_wait3A_63 = arith.constant 0 : i32
    %dma_wait3A_64 = tpu.memref_slice %arg5[%multiple_of3A_58, %dma_wait3A_63] : memref<819200x128xf32, #tpu.memory_space<hbm>> -> memref<256x128xf32, #tpu.memory_space<hbm>>
    %dma_wait3A_65 = arith.constant 0 : i32
    %dma_wait3A_66 = tpu.memref_slice %arg5[%multiple_of3A_58, %dma_wait3A_65] : memref<819200x128xf32, #tpu.memory_space<hbm>> -> memref<256x128xf32, #tpu.memory_space<hbm>>
    %dma_wait3A_67 = arith.constant 0 : i32
    %dma_wait3A_68 = arith.constant 0 : i32
    %dma_wait3A_69 = tpu.memref_slice %arg7[%dma_wait3A, %dma_wait3A_67, %dma_wait3A_68] : memref<2x256x128xf32, #tpu.memory_space<vmem>> -> memref<1x256x128xf32, #tpu.memory_space<vmem>>
    %dma_wait3A_70 = tpu.memref_squeeze %dma_wait3A_69 : memref<1x256x128xf32, #tpu.memory_space<vmem>> -> memref<256x128xf32, #tpu.memory_space<vmem>>
    tpu.wait_dma2 semaphore(%arg11 : memref<!tpu.dma_semaphore, #tpu.memory_space<semaphore_mem>>) src(%dma_wait3A_70 : memref<256x128xf32, #tpu.memory_space<vmem>>) dst(%dma_wait3A_66 : memref<256x128xf32, #tpu.memory_space<hbm>>)
    %add3A_71 = arith.constant 25344 : i32
    %add3A_72 = arith.addi %mul3A_2, %add3A_71 : i32
    %multiple_of3A_73 = tpu.assume_multiple %add3A_72, 8 : i32
    %dma_wait3A_74 = arith.constant 1 : i32
    %dma_wait3A_75 = arith.constant 0 : i32
    %dma_wait3A_76 = arith.constant 0 : i32
    %dma_wait3A_77 = tpu.memref_slice %arg7[%dma_wait3A_74, %dma_wait3A_75, %dma_wait3A_76] : memref<2x256x128xf32, #tpu.memory_space<vmem>> -> memref<1x256x128xf32, #tpu.memory_space<vmem>>
    %dma_wait3A_78 = tpu.memref_squeeze %dma_wait3A_77 : memref<1x256x128xf32, #tpu.memory_space<vmem>> -> memref<256x128xf32, #tpu.memory_space<vmem>>
    %dma_wait3A_79 = arith.constant 0 : i32
    %dma_wait3A_80 = tpu.memref_slice %arg5[%multiple_of3A_73, %dma_wait3A_79] : memref<819200x128xf32, #tpu.memory_space<hbm>> -> memref<256x128xf32, #tpu.memory_space<hbm>>
    %dma_wait3A_81 = arith.constant 0 : i32
    %dma_wait3A_82 = tpu.memref_slice %arg5[%multiple_of3A_73, %dma_wait3A_81] : memref<819200x128xf32, #tpu.memory_space<hbm>> -> memref<256x128xf32, #tpu.memory_space<hbm>>
    %dma_wait3A_83 = arith.constant 0 : i32
    %dma_wait3A_84 = arith.constant 0 : i32
    %dma_wait3A_85 = tpu.memref_slice %arg7[%dma_wait3A_74, %dma_wait3A_83, %dma_wait3A_84] : memref<2x256x128xf32, #tpu.memory_space<vmem>> -> memref<1x256x128xf32, #tpu.memory_space<vmem>>
    %dma_wait3A_86 = tpu.memref_squeeze %dma_wait3A_85 : memref<1x256x128xf32, #tpu.memory_space<vmem>> -> memref<256x128xf32, #tpu.memory_space<vmem>>
    tpu.wait_dma2 semaphore(%arg12 : memref<!tpu.dma_semaphore, #tpu.memory_space<semaphore_mem>>) src(%dma_wait3A_86 : memref<256x128xf32, #tpu.memory_space<vmem>>) dst(%dma_wait3A_82 : memref<256x128xf32, #tpu.memory_space<hbm>>)
    return
  }
}

</mosaic_0001>

<sc_bundles>
// kernel: kernel.3.cloned.1.call-start
scs
__scs_entry_jumppad:
0x0: {  	(pc) =	sbr.rel $0x88, $3  }
0x1: {  	(tag) =	ssettag $0x0;
	lr =	simm.s32 $0x1  }
0x2: {  	[smem:$0x3F9E] =	sst lr;
	_ =	strace $0xD0000000  }
0x3: {  	_ = 	snop  }
0x4: {  	_ = 	snop  }
0x5: {  	_ = 	snop  }
0x6: {  	_ = 	snop  }
0x7: {  	_ = 	snop  }
__scs_overlays_trampoline_lowered:
0x8: {  	[smem:$0x3FAD] =	sst s0  }
0x9: {  	[smem:$0x3FAE] =	sst s1  }
0xa: {  	[smem:$0x3FAF] =	sst s2  }
0xb: {  	[smem:$0x3FB0] =	sst s3  }
0xc: {  	[smem:$0x3FB1] =	sst s4  }
0xd: {  	[smem:$0x3FB2] =	sst s5  }
0xe: {  	[smem:$0x3FB3] =	sst s6  }
0xf: {  	[smem:$0x3FB4] =	sst s7  }
0x10: {  	[smem:$0x3FB5] =	sst s8  }
0x11: {  	[smem:$0x3FB6] =	sst s9;
	s0 =	simm.s32 @!p0 $0x0  }
0x12: {  	s1 =	sld [smem:$0x3F9C];
	s0 =	simm.s32 @p0 $0x1  }
0x13: {  	[smem:$0x3FB7] =	sst s0;
	s0 =	simm.s32 @!p1 $0x0  }
0x14: {  	s2 =	sld [smem:$0x3F9B];
	s0 =	simm.s32 @p1 $0x1  }
0x15: {  	[smem:$0x3FB8] =	sst s0;
	s0 =	simm.s32 @!p2 $0x0  }
0x16: {  	s3 =	sld [smem:$0x3FDB];
	s0 =	simm.s32 @p2 $0x1  }
0x17: {  	s4 =	simm.s32 $0x1BF5;
	[smem:$0x3FBA] =	sst s0  }
0x18: {  	s0 =	sld [smem:$0x3F9D];
	_ =	swait.ge [sflag:s4], $0x0  }
0x19: {  	s7 =	sld [smem:$0x3F9E]  }
0x1a: {  	s8 =	sadd.s32 $0xFFFFE003, lr  }
0x1b: {  	s9 =	sadd.s32 $0xFFFFFEF7, lr;
	s5 =	simm.s32 $0xFFFFFFFF;
	p2 =	slt.u32 s8, $0xFFFFF086  }
0x1c: {  	p1 =	slt.u32 s9, $0xF7A;
	s5 =	simm.s32 @!p2 $0x0  }
0x1d: {  	s5 =	simm.s32 @p1 $0x1;
	p0 =	seq.s32 s7, s2  }
0x1e: {  	s7 =	smul.u32 @!p0 $0xF7A, s2;
	p2 =	seq.s32 @!p0 s5, $0x0  }
0x1f: {  	s9 =	smul.u32 $0xF7A, s1;
	s8 =	simm.s32 @!p0 $0x1BF5;
	p2 =	por !p2, p0  }
0x20: {  	[sflag:s8] =	ssyncset.s32 @!p0 $0xFFFFF086;
	s6 =	sadd.s32 @!p0 s3, s7;
	s7 =	simm.s32 @!p0 $0x108  }
0x21: {  	s3 =	sadd.s32 s3, s9;
	s6 =	sadd.s32 @!p0 $0x88, s6;
	s7 =	simm.s32 @p2 $0x1082  }
0x22: {  	[simem:s7], [sflag:s8] =	dma.local @!p0 [hbm:s6], $0xF7A  }
0x23: {  	s9 =	sor.u32 $0xD0000000, s2;
	s6 =	simm.s32 $0x108;
	_ =	swait.ge @!p0 [sflag:s8], $0x0  }
0x24: {  	s3 =	sadd.s32 $0x88, s3;
	s6 =	simm.s32 @!p1 $0x1082;
	[sflag:s4] =	ssyncset.s32 $0xFFFFF086  }
0x25: {  	[simem:s6], [sflag:s4] =	dma.local [hbm:s3], $0xF7A  }
0x26: {  	[smem:$0x3F9E] =	sst s1;
	(tag) =	ssettag s2;
	_ =	strace s9  }
0x27: {  	s1 =	sld [smem:$0x3FAE]  }
0x28: {  	s2 =	sld [smem:$0x3FAF]  }
0x29: {  	s4 =	sld [smem:$0x3FB1]  }
0x2a: {  	p0 =	seq.s32 s5, $0x0;
	s5 =	sld [smem:$0x3FB2]  }
0x2b: {  	s6 =	sld [smem:$0x3FB3]  }
0x2c: {  	s7 =	sld [smem:$0x3FB4]  }
0x2d: {  	s3 =	simm.s32 $0x108;
	s8 =	sld [smem:$0x3FB5]  }
0x2e: {  	s3 =	simm.s32 @!p0 $0x1082;
	s9 =	sld [smem:$0x3FB6]  }
0x2f: {  	lr =	sadd.s32 s0, s3;
	s0 =	sld [smem:$0x3FAD]  }
0x30: {  	s3 =	sld [smem:$0x3FB0]  }
0x31: {  	[smem:$0x3FB9] =	sst s10  }
0x32: {  	s10 =	sld [smem:$0x3FB7];
	_ =	sdelay $0x3  }
0x33: {  	p0 =	seq.s32 s10, $0x1;
	s10 =	sld [smem:$0x3FB9];
	_ =	sdelay $0x3  }
0x34: {  	[smem:$0x3FB9] =	sst s10  }
0x35: {  	s10 =	sld [smem:$0x3FB8];
	_ =	sdelay $0x3  }
0x36: {  	p1 =	seq.s32 s10, $0x1;
	s10 =	sld [smem:$0x3FB9];
	_ =	sdelay $0x3  }
0x37: {  	[smem:$0x3FB9] =	sst s10  }
0x38: {  	s10 =	sld [smem:$0x3FBA]  }
0x39: {  	_ = 	snop;
	(pc) =	sbr.ind lr, $3  }
0x3a: {  	_ = 	snop  }
0x3b: {  	_ = 	snop  }
0x3c: {  	p2 =	seq.s32 s10, $0x1;
	s10 =	sld [smem:$0x3FB9]  }
0x3d: {  	_ =	shalt  }
0x3e: {  	_ =	shalt  }
0x3f: {  	_ =	shalt  }
0x40: {  	_ =	shalt  }
0x41: {  	_ =	shalt  }
0x42: {  	_ =	shalt  }
0x43: {  	_ =	shalt  }
0x44: {  	_ =	shalt  }
0x45: {  	_ =	shalt  }
0x46: {  	_ =	shalt  }
0x47: {  	_ =	shalt  }
0x48: {  	_ =	shalt  }
0x49: {  	_ =	shalt  }
0x4a: {  	_ =	shalt  }
0x4b: {  	_ =	shalt  }
0x4c: {  	_ =	shalt  }
0x4d: {  	_ =	shalt  }
0x4e: {  	_ =	shalt  }
0x4f: {  	_ =	shalt  }
0x50: {  	_ =	shalt  }
0x51: {  	_ =	shalt  }
0x52: {  	_ =	shalt  }
0x53: {  	_ =	shalt  }
0x54: {  	_ =	shalt  }
0x55: {  	_ =	shalt  }
0x56: {  	_ =	shalt  }
0x57: {  	_ =	shalt  }
0x58: {  	_ =	shalt  }
0x59: {  	_ =	shalt  }
0x5a: {  	_ =	shalt  }
0x5b: {  	_ =	shalt  }
0x5c: {  	_ =	shalt  }
0x5d: {  	_ =	shalt  }
0x5e: {  	_ =	shalt  }
0x5f: {  	_ =	shalt  }
0x60: {  	_ =	shalt  }
0x61: {  	_ =	shalt  }
0x62: {  	_ =	shalt  }
0x63: {  	_ =	shalt  }
0x64: {  	_ =	shalt  }
0x65: {  	_ =	shalt  }
0x66: {  	_ =	shalt  }
0x67: {  	_ =	shalt  }
0x68: {  	_ =	shalt  }
0x69: {  	_ =	shalt  }
0x6a: {  	_ =	shalt  }
0x6b: {  	_ =	shalt  }
0x6c: {  	_ =	shalt  }
0x6d: {  	_ =	shalt  }
0x6e: {  	_ =	shalt  }
0x6f: {  	_ =	shalt  }
0x70: {  	_ =	shalt  }
0x71: {  	_ =	shalt  }
0x72: {  	_ =	shalt  }
0x73: {  	_ =	shalt  }
0x74: {  	_ =	shalt  }
0x75: {  	_ =	shalt  }
0x76: {  	_ =	shalt  }
0x77: {  	_ =	shalt  }
0x78: {  	_ =	shalt  }
0x79: {  	_ =	shalt  }
0x7a: {  	_ =	shalt  }
0x7b: {  	_ =	shalt  }
0x7c: {  	_ =	shalt  }
0x7d: {  	_ =	shalt  }
0x7e: {  	_ =	shalt  }
0x7f: {  	_ =	shalt  }
0x80: {  	_ =	shalt  }
0x81: {  	_ =	shalt  }
0x82: {  	_ =	shalt  }
0x83: {  	_ =	shalt  }
0x84: {  	_ =	shalt  }
0x85: {  	_ =	shalt  }
0x86: {  	_ =	shalt  }
0x87: {  	_ =	shalt  }
.Lfunc_end0:
.L_simem_size_0:
called_computation.1_lowered:
.L_overlay_start_0:
0x88: {  	s2 =	sld [smem:$0x3FD9]  }
0x89: {  	s3 =	sld [smem:$0x3FFE];
	_ =	sdelay $0x1  }
0x8a: {  	s1 =	srdreg.scid  }
0x8b: {  	s0 =	sand.u32 $0x1, s1  }
0x8c: {  	s17 =	sshll.u32 s0, $0xA;
	s2 =	sadd.s32 s3, s2  }
0x8d: {  	s2 =	sadd.s32 s2, s17  }
0x8e: {  	[smem:$0x3FC5] =	sst s2  }
0x8f: {  	_ = 	snop  }
0x90: {  	s2 =	sld [smem:$0x3FD0];
	(tm) =	ssettm $0x1  }
0x91: {  	s18 =	sld [smem:$0x3FFB];
	_ =	sdelay $0x3  }
0x92: {  	_ =	strace s18  }
0x93: {  	s3 =	sld [smem:$0x3FFC];
	_ =	sdelay $0x3  }
0x94: {  	_ =	strace s3  }
0x95: {  	s3 =	sld [smem:$0x3FFD];
	_ =	sdelay $0x3  }
0x96: {  	_ =	strace s3  }
0x97: {  	_ =	strace $0x8FFFFFFF  }
0x98: {  	s19 =	sld [smem:$0x3FDB];
	_ =	sdelay $0x1  }
0x99: {  	s4 =	simm.s32 $_scs_section_size  }
0x9a: {  	s5 =	simm.s32 $_size__tile_overlayer_lowered;
	s6 =	simm.s32 $_tile_overlayer_lowered  }
0x9b: {  	s22 =	simm.s32 $0x1BFF;
	s21 =	sshll.u32 s6, $0x1;
	s3 =	sadd.s32 s4, s19  }
0x9c: {  	s7 =	simm.s32 $0x0;
	s20 =	sshll.u32 s5, $0x1;
	s5 =	sadd.s32 s21, s3  }
0x9d: {  	[timem:s7], [sflag:s22] =	dma.local [hbm:s5], s20  }
0x9e: {  	_ =	swait.ge [sflag:s22], s20  }
0x9f: {  	s4 =	ssub.s32 $0x0, s20;
	[sflag:s22] =	ssyncset.done $0x0  }
0xa0: {  	[sflag:s22] =	ssyncadd.s32 s4;
	_ =	sdelay $0x1  }
0xa1: {  	s23 =	simm.s32 $0x1B8B  }
0xa2: {  	_ =	swait.ge [sflag:s23], $0x1  }
0xa3: {  	[sflag:s23] =	ssyncset.done $0x0  }
0xa4: {  	s25 =	simm.s32 $0x1B8E;
	s24 =	sld [smem:$0x3FFE];
	[sflag:s23] =	ssyncadd.s32 $0xFFFFFFFF  }
0xa5: {  	s26 =	simm.s32 $execute0_lowered;
	[smem:$0x3FD2] =	sst s25  }
0xa6: {  	s5 =	sshll.u32 s26, $0x1;
	_ =	strace $0x80000046;
	[dreg:$0x1] =	wrdreg $0xFFFFFFFF  }
0xa7: {  	s28 =	simm.s32 $_size_execute0_lowered;
	s3 =	sadd.s32 s3, s5;
	[dreg:$0x0] =	wrdreg $0x0  }
0xa8: {  	s5 =	sshll.u32 s28, $0x1;
	[dreg:$0x2] =	wrdreg s3  }
0xa9: {  	[dreg:$0x3] =	wrdreg s5  }
0xaa: {  	[dreg:$0x4] =	wrdreg $0xC0  }
0xab: {  	_ =	task [dreg:s7], $0x5FFFF  }
0xac: {  	[dreg:$0x1] =	wrdreg $0xFFFFFFFF  }
0xad: {  	[dreg:$0x0] =	wrdreg $0x60  }
0xae: {  	[dreg:$0x2] =	wrdreg s2  }
0xaf: {  	[dreg:$0x3] =	wrdreg s24  }
0xb0: {  	[dreg:$0x4] =	wrdreg $0x9  }
0xb1: {  	_ =	task.clear_ibuf [dreg:s7], $0x5FFFF;
	_ =	strace $0x90000046  }
0xb2: {  	s29 =	simm.s32 $0x9;
	_ =	strace $0x80000048  }
0xb3: {  	_ =	swait.ge [sflag:s29], $0x1  }
0xb4: {  	[sflag:s29] =	ssyncadd.s32 $0xFFFFFFFF  }
0xb5: {  	_ =	strace $0x90000048  }
0xb6: {  	_ =	sfence  }
0xb7: {  	s30 =	sld [smem:$0x0];
	_ =	sdelay $0x2  }
0xb8: {  	s31 =	sshll.u32 s1, $0xD;
	s1 =	sshrl.u32 s1, $0x2  }
0xb9: {  	s3 =	sand.u32 $0x4000, s31;
	s1 =	sadd.s32 s1, s30  }
0xba: {  	s0 =	sor.u32 s3, s0;
	s1 =	sshll.u32 s1, $0x11  }
0xbb: {  	s0 =	sor.u32 s1, s0  }
0xbc: {  	s0 =	sadd.s32 $0x8F2B, s0  }
0xbd: {  	[sflag:s0] =	ssyncadd.remote.s32 $0x1  }
0xbe: {  	_ =	sfence.sel $0xFFFF  }
0xbf: {  	[dreg:$0x0] =	wrdreg $0xFFFFFFFF;
	(pc) =	sbr.abs _section_cstart, $3  }
0xc0: {  	[dreg:$0x1] =	wrdreg $0xFFFFFFFF  }
0xc1: {  	_ =	task.clear_ibuf [dreg:s7], $0x2FFFF;
	_ =	strace $0x9FFFFFFF  }
0xc2: {  	(tm) =	ssettm $0x7FFFFFFF  }
0xc3: {  	_ =	shalt  }
tec
execute0_lowered:
.L_overlay_start_1:
0x0: {  	(tag) =	ssettag $0x1  }
0x1: {  	s0 =	rddreg [dreg:$0x0]  }
0x2: {  	s1 =	rddreg [dreg:$0x1];
	s2 =	simm.s32 $0x0;
	s3 =	srdreg.scid  }
0x3: {  	s5 =	stileid.u32;
	s10 =	simm.s32 $0x5;
	s11 =	simm.s32 $0x80  }
0x4: {  	s12 =	simm.s32 $0x6400;
	s14 =	simm.s32 $0xE400;
	s15 =	simm.s32 $0x180  }
0x5: {  	s16 =	simm.s32 $0x12400;
	s17 =	simm.s32 $0x1;
	s18 =	simm.s32 $0x2  }
0x6: {  	s19 =	simm.s32 $0x3;
	s20 =	simm.s32 $0x4;
	s21 =	simm.s32 $0x0  }
0x7: {  	[smem:$0x7FF] =	sst s2;
	s4 =	sand.u32 $0x1, s3;
	s5 =	sshll.u32 s5, $0x1  }
0x8: {  	s3 =	sadd.s32 $0xF43800, s1;
	s6 =	ssub.s32 $0x2, s4;
	s7 =	sor.u32 s4, s5  }
0x9: {  	_ =	strace $0x80000047;
	s8 =	sshrl.u32 s6, $0x1;
	s9 =	smul.u32 $0xC80, s7  }
0xa: {  	s4 =	sadd.s32 $0xF43000, s1;
	s5 =	sadd.s32 $0xC00, s1;
	s31 =	ssub.s32 s6, s8  }
0xb: {  	s6 =	smul.u32 $0x6400, s7;
	s7 =	sadd.s32 s0, s9;
	s8 =	smax.u32 s31, $0x1  }
.LBB2_1:
0xc: {  	s0 =	simm.s32 $0x16400  }
0xd: {  	[tilespmem:s0], [sflag:$0x5] =	stream.linear.gather [hbm4b:s4+s2], $0x3200, $0x38;
	[tilespmem:$0x19600] =	vst v63  }
0xe: {  	_ =	swait.ge [sflag:s10], $0x3200  }
0xf: {  	[sflag:s10] =	ssyncset.done $0x0  }
0x10: {  	[sflag:s10] =	ssyncadd.s32 $0xFFFFCE00  }
0x11: {  	[tilespmem:s2], [sflag:$0x5] =	stream.linear.gather [hbm4b:s7+s2], $0x6400, $0x38;
	[tilespmem:$0x19600] =	vst v63  }
0x12: {  	_ =	swait.ge [sflag:s10], $0x6400  }
0x13: {  	[sflag:s10] =	ssyncset.done $0x0  }
0x14: {  	[sflag:s10] =	ssyncadd.s32 $0xFFFF9C00  }
0x15: {  	[tilespmem:s12], [sflag:$0x1] =	stream.indirect.gather [hbm4b:s3+s11], $0x80, s2, s11, $0xb8;
	[tilespmem:$0x19600] =	vst v63  }
0x16: {  	s31 =	simm.s32 $0xA400  }
0x17: {  	[tilespmem:s31], [sflag:$0x1] =	stream.indirect.gather [hbm4b:s3+s11], $0x80, s11, s11, $0xb8;
	[tilespmem:$0x19600] =	vst v63  }
0x18: {  	s22 =	simm.s32 $0x100  }
0x19: {  	[tilespmem:s14], [sflag:$0x2] =	stream.indirect.gather [hbm4b:s3+s11], $0x80, s22, s11, $0xb8;
	[tilespmem:$0x19600] =	vst v63  }
0x1a: {  	s23 =	simm.s32 $0x0;
	s24 =	simm.s32 $0x0  }
0x1b: {  	[tilespmem:s16], [sflag:$0x2] =	stream.indirect.gather [hbm4b:s3+s11], $0x80, s15, s11, $0xb8;
	[tilespmem:$0x19600] =	vst v63  }
.LBB2_2:
0x1c: {  	s0 =	smulhi.u32 $0x51EB851F, s23;
	_ =	swait.ge [sflag:s17], $0x4000  }
0x1d: {  	[sflag:s17] =	ssyncset.done $0x0  }
0x1e: {  	s0 =	sshrl.u32 s0, $0x6;
	[sflag:s17] =	ssyncadd.s32 $0xFFFFC000  }
0x1f: {  	s0 =	smul.u32 $0xC8, s0;
	_ =	swait.ge [sflag:s17], $0x4000  }
0x20: {  	p0 =	seq.s32 s24, $0x0;
	[sflag:s17] =	ssyncset.done $0x0  }
0x21: {  	s28 =	simm.s32 @!p0 $0x3;
	s0 =	ssub.s32 s23, s0;
	[sflag:s17] =	ssyncadd.s32 $0xFFFFC000  }
0x22: {  	p1 =	sgt.u32 s0, $0x18F;
	p2 =	sgt.u32 s0, $0xC7;
	s1 =	sadd.s32 $0xFFFF38, s0  }
0x23: {  	s26 =	sadd.s32 $0xFFFE70, s0;
	s13 =	sadd.s32 $0x1, s0;
	s0 =	smov.u32 @p2 s1  }
0x24: {  	_ =	swait.ge @!p0 [sflag:s28], $0x8000;
	s0 =	smov.u32 @p1 s26  }
0x25: {  	[sflag:s28] =	ssyncset.done @!p0 $0x0;
	s0 =	sshll.u32 s0, $0x8  }
0x26: {  	[sflag:s28] =	ssyncadd.s32 @!p0 $0xFFFF8000;
	s0 =	sshra.s32 s0, $0x2  }
0x27: {  	v0 =	vld [tilespmem:s0+$0x16400];
	_ =	sdelay $0x3  }
0x28: {  	s30 =	simm.s32 $0x0  }
0x29: {  	[tilespmem:s30+$0x6400] =	vst.add.f32.msk $0xffff, v0  }
0x2a: {  	v0 =	vld [tilespmem:s0+$0x16410];
	_ =	sdelay $0x4  }
0x2b: {  	[tilespmem:s30+$0x6410] =	vst.add.f32.msk $0xffff, v0  }
0x2c: {  	v0 =	vld [tilespmem:s0+$0x16420]  }
0x2d: {  	s26 =	smulhi.u32 $0x51EB851F, s22;
	_ =	sdelay $0x1  }
0x2e: {  	s1 =	sshrl.u32 s26, $0x6  }
0x2f: {  	s29 =	sshll.u32 s24, $0xB;
	s31 =	simm.s32 $0x200;
	s1 =	smul.u32 $0xC8, s1  }
0x30: {  	p2 =	sgt.u32 s13, $0x18F;
	p3 =	sgt.u32 s13, $0xC7;
	s28 =	sshll.u32 s24, $0x9;
	[tilespmem:s30+$0x6420] =	vst.add.f32.msk $0xffff, v0  }
0x31: {  	s26 =	ssub.s32 s23, s1;
	s1 =	sadd.s32 $0xFFFF38, s13;
	v0 =	vld [tilespmem:s0+$0x16430];
	s0 =	simm.s32 $0x400  }
.LBB2_3:
0x32: {  	s25 =	smov.u32 s13  }
0x33: {  	p1 =	sne.s32 s0, $0x1FE00;
	s9 =	sadd.s32 $0xFFFE70, s13;
	s25 =	smov.u32 @p3 s1  }
0x34: {  	s25 =	smov.u32 @p2 s9  }
0x35: {  	s1 =	sshll.u32 s25, $0x8  }
0x36: {  	s1 =	sshra.s32 s1, $0x2;
	[tilespmem:s30+$0x6430] =	vst.add.f32.msk $0xffff, v0  }
0x37: {  	v0 =	vld [tilespmem:s1+$0x16400];
	_ =	sdelay $0x3  }
0x38: {  	s30 =	sshra.s32 s31, $0x2;
	s31 =	smov.u32 s0  }
0x39: {  	[tilespmem:s30+$0x6400] =	vst.add.f32.msk $0xffff, v0  }
0x3a: {  	v0 =	vld [tilespmem:s1+$0x16410];
	_ =	sdelay $0x4  }
0x3b: {  	[tilespmem:s30+$0x6410] =	vst.add.f32.msk $0xffff, v0  }
0x3c: {  	v0 =	vld [tilespmem:s1+$0x16420];
	_ =	sdelay $0x2  }
.Ltmp0:
0x3d: {  	(pc) =	sbr.rel @p1 .LBB2_3-.Ltmp0, $4  }
0x3e: {  	_ = 	snop  }
0x3f: {  	s13 =	sadd.s32 $0x1, s13;
	[tilespmem:s30+$0x6420] =	vst.add.f32.msk $0xffff, v0  }
0x40: {  	p2 =	sgt.u32 s13, $0x18F;
	v0 =	vld [tilespmem:s1+$0x16430]  }
0x41: {  	p3 =	sgt.u32 s13, $0xC7;
	s0 =	sadd.s32 $0x200, s0;
	s1 =	sadd.s32 $0xFFFF38, s13  }
0x42: {  	s0 =	sadd.s32 $0xFFFE70, s13;
	s13 =	smov.u32 @p3 s1  }
0x43: {  	s13 =	smov.u32 @p2 s0  }
0x44: {  	s0 =	sshll.u32 s13, $0x8  }
0x45: {  	s0 =	sshra.s32 s0, $0x2;
	[tilespmem:s30+$0x6430] =	vst.add.f32.msk $0xffff, v0  }
0x46: {  	v0 =	vld [tilespmem:s0+$0x16400];
	_ =	sdelay $0x3  }
0x47: {  	s13 =	sshra.s32 s31, $0x2  }
0x48: {  	[tilespmem:s13+$0x6400] =	vst.add.f32.msk $0xffff, v0  }
0x49: {  	v0 =	vld [tilespmem:s0+$0x16410];
	_ =	sdelay $0x4  }
0x4a: {  	[tilespmem:s13+$0x6410] =	vst.add.f32.msk $0xffff, v0  }
0x4b: {  	v0 =	vld [tilespmem:s0+$0x16420];
	_ =	sdelay $0x4  }
0x4c: {  	[tilespmem:s13+$0x6420] =	vst.add.f32.msk $0xffff, v0  }
0x4d: {  	v0 =	vld [tilespmem:s0+$0x16430];
	_ =	sdelay $0x2  }
0x4e: {  	p1 =	seq.s32 s24, $0x31  }
0x4f: {  	s25 =	sshrl.u32 @!p1 s29, $0x2  }
0x50: {  	s1 =	simm.s32 @!p1 $0x80;
	s9 =	simm.s32 @!p1 $0x6400;
	s0 =	sadd.s32 @!p1 $0x200, s25;
	[tilespmem:s13+$0x6430] =	vst.add.f32.msk $0xffff, v0  }
0x51: {  	[tilespmem:s9], [sflag:$0x1] =	stream.indirect.gather @!p1 [hbm4b:s3+s1], $0x80, s0, s1, $0xb8;
	[tilespmem:$0x19600] =	vst v63  }
0x52: {  	s0 =	sadd.s32 @!p1 $0x280, s25;
	s9 =	simm.s32 @!p1 $0xA400  }
0x53: {  	[tilespmem:s9], [sflag:$0x1] =	stream.indirect.gather @!p1 [hbm4b:s3+s1], $0x80, s0, s1, $0xb8;
	[tilespmem:$0x19600] =	vst v63  }
0x54: {  	s9 =	sadd.s32 s6, s28  }
0x55: {  	s0 =	sshll.u32 s9, $0x4  }
0x56: {  	s0 =	sadd.s32 s5, s0  }
0x57: {  	[hbm4b:s0+s2] =	stream.linear.scatter [tilespmem:s12], [sflag:$0x3], $0x8000, $0x38;
	[tilespmem:$0x19600] =	vst v63  }
0x58: {  	_ =	swait.ge [sflag:s18], $0x4000  }
0x59: {  	[sflag:s18] =	ssyncset.done $0x0  }
0x5a: {  	s1 =	sadd.s32 $0x1000038, s26;
	[sflag:s18] =	ssyncadd.s32 $0xFFFFC000  }
0x5b: {  	s9 =	sadd.s32 $0xFFFF70, s26;
	s0 =	sadd.s32 $0x100, s26;
	_ =	swait.ge [sflag:s18], $0x4000  }
0x5c: {  	p2 =	sgt.u32 s0, $0xC7;
	p3 =	sgt.u32 s0, $0x18F;
	[sflag:s18] =	ssyncset.done $0x0  }
0x5d: {  	s0 =	smov.u32 @p2 s1;
	s1 =	simm.s32 @!p0 $0x4;
	[sflag:s18] =	ssyncadd.s32 $0xFFFFC000  }
0x5e: {  	s0 =	smov.u32 @p3 s9;
	_ =	swait.ge @!p0 [sflag:s1], $0x8000  }
0x5f: {  	s0 =	sshll.u32 s0, $0x8;
	[sflag:s1] =	ssyncset.done @!p0 $0x0  }
0x60: {  	s13 =	sshra.s32 s0, $0x2;
	[sflag:s1] =	ssyncadd.s32 @!p0 $0xFFFF8000  }
0x61: {  	v0 =	vld [tilespmem:s13+$0x16400];
	_ =	sdelay $0x3  }
0x62: {  	s29 =	simm.s32 $0x0  }
0x63: {  	[tilespmem:s29+$0xE400] =	vst.add.f32.msk $0xffff, v0  }
0x64: {  	v0 =	vld [tilespmem:s13+$0x16410];
	_ =	sdelay $0x4  }
0x65: {  	[tilespmem:s29+$0xE410] =	vst.add.f32.msk $0xffff, v0  }
0x66: {  	v0 =	vld [tilespmem:s13+$0x16420];
	_ =	sdelay $0x4  }
0x67: {  	s31 =	simm.s32 $0x400;
	s30 =	sadd.s32 $0x1, s26;
	[tilespmem:s29+$0xE420] =	vst.add.f32.msk $0xffff, v0  }
0x68: {  	s28 =	sor.u32 $0x100, s28;
	s26 =	simm.s32 $0x200;
	s0 =	sadd.s32 $0x100, s30;
	v0 =	vld [tilespmem:s13+$0x16430]  }
.LBB2_5:
0x69: {  	p0 =	sne.s32 s31, $0x1FE00;
	p2 =	sgt.u32 s0, $0xC7;
	s1 =	sadd.s32 $0x1000038, s30  }
0x6a: {  	p3 =	sgt.u32 s0, $0x18F;
	s9 =	sadd.s32 $0xFFFF70, s30;
	s0 =	smov.u32 @p2 s1  }
0x6b: {  	s0 =	smov.u32 @p3 s9  }
0x6c: {  	s0 =	sshll.u32 s0, $0x8  }
0x6d: {  	s1 =	sshra.s32 s0, $0x2;
	[tilespmem:s29+$0xE430] =	vst.add.f32.msk $0xffff, v0  }
0x6e: {  	v0 =	vld [tilespmem:s1+$0x16400];
	_ =	sdelay $0x3  }
0x6f: {  	s29 =	sshra.s32 s26, $0x2;
	s26 =	smov.u32 s31  }
0x70: {  	[tilespmem:s29+$0xE400] =	vst.add.f32.msk $0xffff, v0  }
0x71: {  	v0 =	vld [tilespmem:s1+$0x16410];
	_ =	sdelay $0x4  }
0x72: {  	[tilespmem:s29+$0xE410] =	vst.add.f32.msk $0xffff, v0  }
0x73: {  	v0 =	vld [tilespmem:s1+$0x16420];
	_ =	sdelay $0x1  }
.Ltmp1:
0x74: {  	(pc) =	sbr.rel @p0 .LBB2_5-.Ltmp1, $3  }
0x75: {  	_ =	sdelay $0x1  }
0x76: {  	s30 =	sadd.s32 $0x1, s30;
	[tilespmem:s29+$0xE420] =	vst.add.f32.msk $0xffff, v0  }
0x77: {  	s0 =	sadd.s32 $0x100, s30;
	s31 =	sadd.s32 $0x200, s31;
	v0 =	vld [tilespmem:s1+$0x16430]  }
0x78: {  	p0 =	sgt.u32 s0, $0xC7;
	s1 =	sadd.s32 $0x1000038, s30  }
0x79: {  	p2 =	sgt.u32 s0, $0x18F;
	s9 =	sadd.s32 $0xFFFF70, s30;
	s0 =	smov.u32 @p0 s1  }
0x7a: {  	s0 =	smov.u32 @p2 s9  }
0x7b: {  	s0 =	sshll.u32 s0, $0x8  }
0x7c: {  	s0 =	sshra.s32 s0, $0x2;
	[tilespmem:s29+$0xE430] =	vst.add.f32.msk $0xffff, v0  }
0x7d: {  	v0 =	vld [tilespmem:s0+$0x16400];
	_ =	sdelay $0x3  }
0x7e: {  	s30 =	sshra.s32 s26, $0x2  }
0x7f: {  	[tilespmem:s30+$0xE400] =	vst.add.f32.msk $0xffff, v0  }
0x80: {  	v0 =	vld [tilespmem:s0+$0x16410];
	_ =	sdelay $0x4  }
0x81: {  	[tilespmem:s30+$0xE410] =	vst.add.f32.msk $0xffff, v0  }
0x82: {  	v0 =	vld [tilespmem:s0+$0x16420];
	_ =	sdelay $0x4  }
0x83: {  	[tilespmem:s30+$0xE420] =	vst.add.f32.msk $0xffff, v0  }
0x84: {  	v0 =	vld [tilespmem:s0+$0x16430];
	_ =	sdelay $0x3  }
0x85: {  	s24 =	sadd.s32 $0x1, s24  }
0x86: {  	s1 =	simm.s32 @!p1 $0x80;
	s9 =	simm.s32 @!p1 $0xE400;
	s0 =	sadd.s32 @!p1 $0x300, s25;
	[tilespmem:s30+$0xE430] =	vst.add.f32.msk $0xffff, v0  }
0x87: {  	[tilespmem:s9], [sflag:$0x2] =	stream.indirect.gather @!p1 [hbm4b:s3+s1], $0x80, s0, s1, $0xb8;
	[tilespmem:$0x19600] =	vst v63  }
0x88: {  	p0 =	sne.s32 s24, $0x32;
	s0 =	sadd.s32 @!p1 $0x380, s25;
	s9 =	simm.s32 @!p1 $0x12400  }
0x89: {  	[tilespmem:s9], [sflag:$0x2] =	stream.indirect.gather @!p1 [hbm4b:s3+s1], $0x80, s0, s1, $0xb8;
	[tilespmem:$0x19600] =	vst v63  }
.Ltmp2:
0x8a: {  	s31 =	sadd.s32 s6, s28;
	(pc) =	sbr.rel @p0 .LBB2_2-.Ltmp2, $4  }
0x8b: {  	s0 =	sshll.u32 s31, $0x4  }
0x8c: {  	s0 =	sand.u32 $0x1FFFF000, s0  }
0x8d: {  	s23 =	sadd.s32 $0x200, s23;
	s22 =	sadd.s32 $0x200, s22;
	s0 =	sadd.s32 s5, s0  }
0x8e: {  	[hbm4b:s0+s2] =	stream.linear.scatter [tilespmem:s14], [sflag:$0x4], $0x8000, $0x38;
	[tilespmem:$0x19600] =	vst v63  }
0x8f: {  	s21 =	sadd.s32 $0x1, s21  }
0x90: {  	_ =	swait.ge [sflag:s19], $0x8000;
	p0 =	sne.s32 s21, s8  }
.Ltmp3:
0x91: {  	[sflag:s19] =	ssyncset.done $0x0;
	(pc) =	sbr.rel @p0 .LBB2_1-.Ltmp3, $4  }
0x92: {  	[sflag:s19] =	ssyncadd.s32 $0xFFFF8000  }
0x93: {  	_ =	swait.ge [sflag:s20], $0x8000  }
0x94: {  	[sflag:s20] =	ssyncset.done $0x0  }
0x95: {  	[sflag:s20] =	ssyncadd.s32 $0xFFFF8000  }
0x96: {  	_ =	sfence.sel $0x180000  }
0x97: {  	[bflag:$0x0] =	sbarrier.arrive $0xFFFF  }
0x98: {  	_ =	strace $0x90000047  }
0x99: {  	s0 =	stileid.u32;
	[bflag:$0x2] =	sbarrier.arrive $0xFFFF  }
0x9a: {  	p0 =	sne.s32 s0, $0x0;
	s0 =	rddreg [dreg:$0x2]  }
0x9b: {  	s0 =	sadd.s32 @!p0 $0x100000, s0  }
0x9c: {  	[sflag:s0] =	ssyncadd.tile.s32 @!p0 $0x1;
	_ =	shalt  }
.Lfunc_end2:
_tile_overlayer_lowered:
.L_overlay_start_2:
0x9d: {  	(tag) =	ssettag $0x2  }
0x9e: {  	s0 =	rddreg [dreg:$0x0];
	s2 =	stileid.u32  }
0x9f: {  	s1 =	rddreg [dreg:$0x1];
	p0 =	sne.s32 s2, $0x0  }
0xa0: {  	s3 =	rddreg [dreg:$0x2];
	[bflag:$0x3] =	sbarrier.arrive $0xFFFF;
	s2 =	simm.s32 @!p0 $0x1C05  }
0xa1: {  	[timem:s3], [sflag:s2] =	dma.local @!p0 [hbm:s0], s1  }
0xa2: {  	s0 =	simm.s32 @!p0 $0x5  }
0xa3: {  	_ =	swait.ge @!p0 [sflag:s0], s1  }
0xa4: {  	s1 =	ssub.s32 @!p0 $0x0, s1;
	[sflag:s0] =	ssyncset.done @!p0 $0x0  }
0xa5: {  	[sflag:s0] =	ssyncadd.s32 @!p0 s1  }
0xa6: {  	[bflag:$0x3] =	sbarrier.arrive $0xFFFF  }
0xa7: {  	_ =	shalt  }

// kernel: sparse-core-data-format-call.cloned.1.call-start
scs
called_computation_lowered:
.L_overlay_start_0:
0x0: {  	s2 =	sld [smem:$0x3FD9]  }
0x1: {  	s3 =	sld [smem:$0x3FFE];
	_ =	sdelay $0x1  }
0x2: {  	s1 =	srdreg.scid  }
0x3: {  	s0 =	sand.u32 $0x1, s1  }
0x4: {  	s18 =	sshll.u32 s0, $0xA;
	s2 =	sadd.s32 s3, s2  }
0x5: {  	s2 =	sadd.s32 s2, s18  }
0x6: {  	[smem:$0x3FC5] =	sst s2  }
0x7: {  	_ = 	snop  }
0x8: {  	s2 =	sld [smem:$0x3FD0];
	(tm) =	ssettm $0x1  }
0x9: {  	s19 =	sld [smem:$0x3FFB];
	_ =	sdelay $0x3  }
0xa: {  	_ =	strace s19  }
0xb: {  	s3 =	sld [smem:$0x3FFC];
	_ =	sdelay $0x3  }
0xc: {  	_ =	strace s3  }
0xd: {  	s3 =	sld [smem:$0x3FFD];
	_ =	sdelay $0x3  }
0xe: {  	_ =	strace s3  }
0xf: {  	_ =	strace $0x8FFFFFFF  }
0x10: {  	s20 =	sld [smem:$0x3FDB];
	_ =	sdelay $0x1  }
0x11: {  	s4 =	simm.s32 $_scs_section_size  }
0x12: {  	s5 =	simm.s32 $_size__tile_overlayer_lowered;
	s6 =	simm.s32 $_tile_overlayer_lowered  }
0x13: {  	s23 =	simm.s32 $0x1BFF;
	s22 =	sshll.u32 s6, $0x1;
	s3 =	sadd.s32 s4, s20  }
0x14: {  	s7 =	simm.s32 $0x0;
	s21 =	sshll.u32 s5, $0x1;
	s5 =	sadd.s32 s22, s3  }
0x15: {  	[timem:s7], [sflag:s23] =	dma.local [hbm:s5], s21  }
0x16: {  	_ =	swait.ge [sflag:s23], s21  }
0x17: {  	s4 =	ssub.s32 $0x0, s21;
	[sflag:s23] =	ssyncset.done $0x0  }
0x18: {  	[sflag:s23] =	ssyncadd.s32 s4;
	_ =	sdelay $0x1  }
0x19: {  	s24 =	simm.s32 $0x1B8B  }
0x1a: {  	_ =	swait.ge [sflag:s24], $0x1  }
0x1b: {  	[sflag:s24] =	ssyncset.done $0x0  }
0x1c: {  	s26 =	simm.s32 $0x1B8E;
	s25 =	sld [smem:$0x3FFE];
	[sflag:s24] =	ssyncadd.s32 $0xFFFFFFFF  }
0x1d: {  	s27 =	simm.s32 $execute0_lowered;
	[smem:$0x3FD2] =	sst s26  }
0x1e: {  	s5 =	sshll.u32 s27, $0x1;
	_ =	strace $0x80000049;
	[dreg:$0x1] =	wrdreg $0xFFFFFFFF  }
0x1f: {  	s28 =	simm.s32 $_size_execute0_lowered;
	s3 =	sadd.s32 s3, s5;
	[dreg:$0x0] =	wrdreg $0x0  }
0x20: {  	s5 =	sshll.u32 s28, $0x1;
	[dreg:$0x2] =	wrdreg s3  }
0x21: {  	[dreg:$0x3] =	wrdreg s5  }
0x22: {  	[dreg:$0x4] =	wrdreg $0xC0  }
0x23: {  	_ =	task [dreg:s7], $0x5FFFF  }
0x24: {  	[dreg:$0x1] =	wrdreg $0xFFFFFFFF  }
0x25: {  	[dreg:$0x0] =	wrdreg $0x60  }
0x26: {  	[dreg:$0x2] =	wrdreg s25  }
0x27: {  	[dreg:$0x3] =	wrdreg s2  }
0x28: {  	[dreg:$0x4] =	wrdreg $0x9  }
0x29: {  	_ =	task.clear_ibuf [dreg:s7], $0x5FFFF;
	_ =	strace $0x90000049  }
0x2a: {  	s29 =	simm.s32 $0x9;
	_ =	strace $0x8000004B  }
0x2b: {  	_ =	swait.ge [sflag:s29], $0x1  }
0x2c: {  	[sflag:s29] =	ssyncadd.s32 $0xFFFFFFFF  }
0x2d: {  	_ =	strace $0x9000004B  }
0x2e: {  	_ =	sfence  }
0x2f: {  	s30 =	sld [smem:$0x0];
	_ =	sdelay $0x2  }
0x30: {  	s31 =	sshll.u32 s1, $0xD;
	s1 =	sshrl.u32 s1, $0x2  }
0x31: {  	s3 =	sand.u32 $0x4000, s31;
	s1 =	sadd.s32 s1, s30  }
0x32: {  	s0 =	sor.u32 s3, s0;
	s1 =	sshll.u32 s1, $0x11  }
0x33: {  	s0 =	sor.u32 s1, s0  }
0x34: {  	s0 =	sadd.s32 $0x8F2B, s0  }
0x35: {  	[sflag:s0] =	ssyncadd.remote.s32 $0x1  }
0x36: {  	_ =	sfence.sel $0xFFFF  }
0x37: {  	[dreg:$0x0] =	wrdreg $0xFFFFFFFF;
	(pc) =	sbr.abs _section_cstart, $3  }
0x38: {  	[dreg:$0x1] =	wrdreg $0xFFFFFFFF  }
0x39: {  	_ =	task.clear_ibuf [dreg:s7], $0x2FFFF;
	_ =	strace $0x9FFFFFFF  }
0x3a: {  	(tm) =	ssettm $0x7FFFFFFF  }
0x3b: {  	_ =	shalt  }
tec
execute0_lowered:
.L_overlay_start_1:
0x0: {  	(tag) =	ssettag $0x1  }
0x1: {  	s0 =	srdreg.scid  }
0x2: {  	s1 =	sshll.u32 s0, $0x4  }
0x3: {  	s0 =	stileid.u32;
	s1 =	sand.u32 $0x10, s1  }
0x4: {  	s1 =	sor.u32 s0, s1  }
0x5: {  	s6 =	rddreg [dreg:$0x0];
	s4 =	simm.s32 $0x1;
	s2 =	sshll.u32 s1, $0x7  }
0x6: {  	s7 =	simm.s32 $0x2;
	s12 =	simm.s32 $0x0;
	s1 =	ssub.s32 $0x1000, s2  }
0x7: {  	s8 =	simm.s32 $0x8000;
	s13 =	simm.s32 $0x0;
	s3 =	sand.u32 $0xF80, s1  }
0x8: {  	s9 =	simm.s32 $0x0;
	s5 =	sshrl.u32 s1, $0xC;
	p0 =	sne.s32 s3, $0x0  }
.Ltmp0:
0x9: {  	s1 =	rddreg [dreg:$0x2];
	s4 =	simm.s32 @!p0 $0x0;
	(pc) =	sbr.rel .LBB1_1-.Ltmp0, $4  }
0xa: {  	s11 =	simm.s32 $0x0;
	s3 =	rddreg [dreg:$0x1];
	s5 =	sadd.s32 s4, s5  }
0xb: {  	_ =	strace $0x8000004A;
	s4 =	simm.s32 $0x1;
	s5 =	smul.u32 $0xC8, s5  }
0xc: {  	s6 =	sadd.s32 $0xC00, s6;
	s10 =	smov.u32 s2;
	[sflag:s4] =	ssyncpa.u1 $0x0  }
0xd: {  	p0 =	por $0x0, $0x0;
	[sflag:s7] =	ssyncpa.u1 $0x0;
	s7 =	sor.u32 $0x1, s5  }
.LBB1_4:
0xe: {  	s16 =	sshll.u32 s13, $0x3;
	s17 =	sand.u32 $0x78, s13  }
0xf: {  	s30 =	sand.u32 $0x7E00, s13;
	s12 =	sshll.u32 s12, $0xF;
	s16 =	sand.u32 $0xC00, s16  }
0x10: {  	[tilespmem:s15+$0x810 ss:$0x81] =	vst.msk $0xffff, v2;
	s31 =	sand.u32 $0x7, s13;
	s16 =	sor.u32 s17, s16;
	s17 =	sadd.s32 s3, s30  }
0x11: {  	[tilespmem:s15+$0x1020 ss:$0x81] =	vst.msk $0xffff, v0;
	s13 =	sshll.u32 s31, $0x12;
	s12 =	sadd.s32 s12, s17;
	s16 =	sshrl.u32 s16, $0x3  }
0x12: {  	[tilespmem:s15+$0x0 ss:$0x81] =	vst.msk $0xffff, v1;
	s13 =	sor.u32 $0x400, s13;
	s12 =	sadd.s32 s16, s12  }
0x13: {  	[hbm4b:s12+s13] =	stream.strided.scatter [tilespmem:s14], [sflag:$0x2], $0x2000, s8, s13, $0x20;
	[tilespmem:$0x8080] =	vst v63  }
.LBB1_5:
0x14: {  	s14 =	sadd.s32 $0x1, s9  }
0x15: {  	s12 =	sadd.s32 $0x1000, s10;
	s16 =	smov.u32 s10;
	p2 =	sgt.s32 s14, $0xC7  }
0x16: {  	s16 =	smov.u32 @p2 s12  }
0x17: {  	s14 =	simm.s32 @p2 $0x0;
	p2 =	sgt.s32 s16, $0xFFF  }
0x18: {  	s16 =	smov.u32 @p2 s2;
	p2 =	sne.s32 s11, s7  }
.Ltmp1:
0x19: {  	p1 =	slt.u32 s11, $0x2;
	(pc) =	sbr.rel @!p2 .LBB1_6-.Ltmp1, $4  }
0x1a: {  	s15 =	simm.s32 @!p1 $0x2  }
0x1b: {  	s13 =	smov.u32 s10;
	p0 =	por !p0, !p0;
	_ =	swait.ge @!p1 [sflag:s15], $0x2000  }
0x1c: {  	s12 =	smov.u32 s9;
	[sflag:s15] =	ssyncset.done @!p1 $0x0;
	s9 =	smov.u32 s14  }
0x1d: {  	s11 =	sadd.s32 $0x1, s11;
	[sflag:s15] =	ssyncadd.s32 @!p1 $0xFFFFE000;
	s10 =	smov.u32 s16  }
.LBB1_1:
0x1e: {  	p1 =	sge.u32 s11, s5  }
0x1f: {  	s14 =	sand.u32 @!p1 $0x1FFFFFF, s9  }
0x20: {  	s15 =	smulhi.u32 @!p1 $0x147AE15, s14;
	_ =	sdelay $0x1  }
0x21: {  	s15 =	smul.u32 @!p1 $0xC8, s15  }
0x22: {  	s16 =	sxor.u32 @!p1 $0xFFFFFFFF, s11;
	s17 =	smul.u32 @!p1 $0xC80, s10  }
0x23: {  	s31 =	sadd.s32 $0xFFFFFFFF, s11;
	s16 =	sshll.u32 @!p1 s16, $0xD;
	s14 =	ssub.s32 @!p1 s14, s15  }
0x24: {  	s15 =	sand.u32 @!p1 $0x2000, s16;
	s16 =	sadd.s32 @!p1 s6, s17;
	s14 =	sshll.u32 @!p1 s14, $0x4  }
0x25: {  	s17 =	simm.s32 @!p1 $0x6400;
	s14 =	sadd.s32 @!p1 s14, s16;
	s16 =	simm.s32 @!p1 $0x40  }
0x26: {  	[tilespmem:s15], [sflag:$0x1] =	stream.strided.gather @!p1 [hbm4b:s14+s16], $0x2000, s17, s16, $0x38;
	[tilespmem:$0x8080] =	vst v63  }
0x27: {  	p1 =	sge.u32 s31, s5  }
.Ltmp2:
0x28: {  	_ = 	snop;
	(pc) =	sbr.rel @p1 .LBB1_5-.Ltmp2, $1  }
0x29: {  	_ =	sdelay $0x3  }
0x2a: {  	s14 =	simm.s32 $0x1  }
0x2b: {  	_ =	swait.ge [sflag:s4], $0x2000;
	s14 =	simm.s32 @!p0 $0x0  }
0x2c: {  	[sflag:s4] =	ssyncset.done $0x0;
	s15 =	sshll.u32 s14, $0xD  }
0x2d: {  	[sflag:s4] =	ssyncadd.s32 $0xFFFFE000;
	s18 =	sor.u32 $0x20, s15  }
0x2e: {  	s14 =	smul.u32 $0x8100, s14;
	v3 =	vld [tilespmem:s18+$0x10]  }
0x2f: {  	s30 =	sand.u32 $0x1, s11;
	v2 =	vld [tilespmem:s18+$0xFFFFFFF0]  }
0x30: {  	s15 =	smul.u32 $0x8100, s30;
	s14 =	sshrl.u32 s14, $0x2;
	v0 =	vld [tilespmem:s18+$0x0]  }
0x31: {  	v1 =	vld [tilespmem:s18+$0xFFFFFFE0];
	s16 =	sor.u32 $0x4000, s14  }
0x32: {  	s31 =	sshrl.u32 s15, $0x2;
	s15 =	sadd.s32 $0x0, s16  }
0x33: {  	s17 =	simm.s32 $0x4;
	s18 =	sadd.s32 $0x40, s18;
	s14 =	sor.u32 $0x4000, s31;
	[tilespmem:s15+$0x1830 ss:$0x81] =	vst.msk $0xffff, v3  }
.LBB1_3:
0x34: {  	v3 =	vld [tilespmem:s18+$0x10];
	p1 =	sne.s32 s17, $0x1FC;
	[tilespmem:s15+$0x810 ss:$0x81] =	vst.msk $0xffff, v2;
	s19 =	smov.u32 s17;
	s17 =	sadd.s32 $0x4, s17  }
.Ltmp3:
0x35: {  	v2 =	vld [tilespmem:s18+$0xFFFFFFF0];
	[tilespmem:s15+$0x1020 ss:$0x81] =	vst.msk $0xffff, v0;
	(pc) =	sbr.rel @p1 .LBB1_3-.Ltmp3, $4  }
0x36: {  	v0 =	vld [tilespmem:s18+$0x0];
	[tilespmem:s15+$0x0 ss:$0x81] =	vst.msk $0xffff, v1  }
0x37: {  	s15 =	sshra.s32 s19, $0x2;
	v1 =	vld [tilespmem:s18+$0xFFFFFFE0]  }
0x38: {  	s15 =	sadd.s32 s15, s16  }
0x39: {  	s18 =	sadd.s32 $0x40, s18;
	[tilespmem:s15+$0x1830 ss:$0x81] =	vst.msk $0xffff, v3  }
.Ltmp4:
0x3a: {  	_ = 	snop;
	(pc) =	sbr.rel .LBB1_4-.Ltmp4, $1  }
0x3b: {  	_ =	sdelay $0x3  }
.LBB1_6:
0x3c: {  	_ =	sfence.sel $0x180000  }
0x3d: {  	s2 =	simm.s32 $0x1;
	[bflag:$0x0] =	sbarrier.arrive $0xFFFF  }
0x3e: {  	s31 =	simm.s32 $0x2;
	[sflag:s2] =	ssyncpa.u1 $0x1  }
0x3f: {  	[sflag:s31] =	ssyncpa.u1 $0x1  }
0x40: {  	p0 =	sne.s32 s0, $0x0;
	_ =	strace $0x9000004A  }
0x41: {  	s0 =	sadd.s32 @!p0 $0x100000, s1;
	[bflag:$0x2] =	sbarrier.arrive $0xFFFF  }
0x42: {  	[sflag:s0] =	ssyncadd.tile.s32 @!p0 $0x1;
	_ =	shalt  }
.Lfunc_end1:
_tile_overlayer_lowered:
.L_overlay_start_2:
0x43: {  	(tag) =	ssettag $0x2  }
0x44: {  	s0 =	rddreg [dreg:$0x0];
	s2 =	stileid.u32  }
0x45: {  	s1 =	rddreg [dreg:$0x1];
	p0 =	sne.s32 s2, $0x0  }
0x46: {  	s3 =	rddreg [dreg:$0x2];
	[bflag:$0x3] =	sbarrier.arrive $0xFFFF;
	s2 =	simm.s32 @!p0 $0x1C01  }
0x47: {  	[timem:s3], [sflag:s2] =	dma.local @!p0 [hbm:s0], s1  }
0x48: {  	s0 =	simm.s32 @!p0 $0x1  }
0x49: {  	_ =	swait.ge @!p0 [sflag:s0], s1  }
0x4a: {  	s1 =	ssub.s32 @!p0 $0x0, s1;
	[sflag:s0] =	ssyncset.done @!p0 $0x0  }
0x4b: {  	[sflag:s0] =	ssyncadd.s32 @!p0 s1  }
0x4c: {  	[bflag:$0x3] =	sbarrier.arrive $0xFFFF  }
0x4d: {  	_ =	shalt  }

</sc_bundles>
